<compile_context>
chip_gen: v7x
topology: tpu7x:2x2x1
jax: 0.10.2.dev20260603
libtpu: 0.0.44.dev20260713+nightly
codegen_flags: <defaults>
</compile_context>

<pallas_src>
import functools

import jax
import jax.numpy as jnp
from jax import lax
from jax.experimental import pallas as pl
from jax.experimental.pallas import tpu as pltpu
from jax.experimental.pallas import tpu_sc as plsc

BATCH = 16384
FIELDS = 26
DIM = 32
FPAD = 32
NUM_EMB = 1000000

NC = 2
NS = 16
NW = NC * NS
B_PER_W = BATCH // NW
NBUF = 4
CHUNK_B = 32
NCHUNK = B_PER_W // CHUNK_B


def kernel(x, embedding):
    idx = jnp.pad(x.astype(jnp.int32), ((0, 0), (0, FPAD - FIELDS)))
    idx = idx.reshape(BATCH * FPAD)
    mesh = plsc.VectorSubcoreMesh(core_axis_name="c", subcore_axis_name="s")

    @functools.partial(
        pl.kernel,
        mesh=mesh,
        out_type=jax.ShapeDtypeStruct((BATCH, FIELDS, DIM), jnp.float32),
        scratch_types=[
            pltpu.VMEM((B_PER_W * FPAD,), jnp.int32),
            [pltpu.VMEM((CHUNK_B, FIELDS, DIM), jnp.float32)
             for _ in range(NBUF)],
            [pltpu.SemaphoreType.DMA for _ in range(NBUF)],
            [pltpu.SemaphoreType.DMA for _ in range(NBUF)],
        ],
        compiler_params=pltpu.CompilerParams(use_tc_tiling_on_sc=False),
    )
    def gather_kernel(table_hbm, idx_hbm, out_hbm, idx_v, bufs, gsems, wsems):
        wid = lax.axis_index("s") * NC + lax.axis_index("c")
        base_b = wid * B_PER_W
        pltpu.sync_copy(idx_hbm.at[pl.ds(base_b * FPAD, B_PER_W * FPAD)],
                        idx_v)

        def start_gather(c, b):
            @pl.loop(0, CHUNK_B)
            def _(bi):
                pltpu.async_copy(
                    table_hbm.at[
                        idx_v.at[pl.ds((c * CHUNK_B + bi) * FPAD, FIELDS)]],
                    bufs[b].at[bi], gsems[b])

        def wait_gather(c, b):
            @pl.loop(0, CHUNK_B)
            def _(bi):
                pltpu.make_async_copy(
                    table_hbm.at[
                        idx_v.at[pl.ds((c * CHUNK_B + bi) * FPAD, FIELDS)]],
                    bufs[b].at[bi], gsems[b]).wait()

        def write(c, b):
            return pltpu.make_async_copy(
                bufs[b],
                out_hbm.at[pl.ds(base_b + c * CHUNK_B, CHUNK_B)], wsems[b])

        for b in range(NBUF):
            start_gather(b, b)

        @pl.loop(0, NCHUNK - NBUF, step=NBUF)
        def _(i):
            for b in range(NBUF):
                wait_gather(i + b, b)
                write(i + b, b).start()
            for b in range(NBUF):
                write(i + b, b).wait()
                start_gather(i + b + NBUF, b)

        for b in range(NBUF):
            wait_gather(NCHUNK - NBUF + b, b)
            write(NCHUNK - NBUF + b, b).start()
        for b in range(NBUF):
            write(NCHUNK - NBUF + b, b).wait()

    return gather_kernel(embedding, idx)

# --- scband reference (transcript-rebuilt; emitter-appended) ---
"""Pipeline reference for scband-embedding-layer-47175920779442 (READ-ONLY COPY).

The authoritative reference and input builder live on the scoring server;
editing this copy changes nothing except your own understanding.
"""

import jax, jax.numpy as jnp
import numpy as np

NUM_EMBEDDINGS = 1000000
EMBEDDING_DIM = 32
BATCH = 16384
FIELDS = 26

def setup_inputs(seed: int = 0) -> dict:
    key = jax.random.key(seed)
    k_idx, k_emb = jax.random.split(key)
    x = jax.random.randint(k_idx, (BATCH, FIELDS), 0, NUM_EMBEDDINGS, dtype=jnp.int64 if jax.config.jax_enable_x64 else jnp.int32)
    embedding = jax.random.normal(k_emb, (NUM_EMBEDDINGS, EMBEDDING_DIM), dtype=jnp.float32)
    return {"x": x, "embedding": embedding}

def reference(x, embedding):
    # Faithful translation of: self.embedding[x.long()]
    idx = x.astype(jnp.int32)
    return jnp.take(embedding, idx, axis=0)

if __name__ == "__main__":
    import jax
    _d = setup_inputs()
    print(jax.jit(kernel)(*tuple(_d.values())))

</pallas_src>

<mosaic_0001>
#map = affine_map<(d0, d1) -> (0, 0)>
#map1 = affine_map<(d0, d1) -> (0)>
#map2 = affine_map<(d0, d1) -> (0, 0, 0)>
module attributes {stable_mosaic.version = 14 : i64} {
  func.func @gather_kernel(%arg0: i32, %arg1: i32, %arg2: memref<1000000x32xf32, #tpu.memory_space<hbm>>, %arg3: memref<524288xi32, #tpu.memory_space<hbm>>, %arg4: memref<16384x26x32xf32, #tpu.memory_space<hbm>>, %arg5: memref<16384xi32, #tpu.memory_space<vmem>>, %arg6: memref<32x26x32xf32, #tpu.memory_space<vmem>>, %arg7: memref<32x26x32xf32, #tpu.memory_space<vmem>>, %arg8: memref<32x26x32xf32, #tpu.memory_space<vmem>>, %arg9: memref<32x26x32xf32, #tpu.memory_space<vmem>>, %arg10: memref<!tpu.dma_semaphore, #tpu.memory_space<semaphore_mem>>, %arg11: memref<!tpu.dma_semaphore, #tpu.memory_space<semaphore_mem>>, %arg12: memref<!tpu.dma_semaphore, #tpu.memory_space<semaphore_mem>>, %arg13: memref<!tpu.dma_semaphore, #tpu.memory_space<semaphore_mem>>, %arg14: memref<!tpu.dma_semaphore, #tpu.memory_space<semaphore_mem>>, %arg15: memref<!tpu.dma_semaphore, #tpu.memory_space<semaphore_mem>>, %arg16: memref<!tpu.dma_semaphore, #tpu.memory_space<semaphore_mem>>, %arg17: memref<!tpu.dma_semaphore, #tpu.memory_space<semaphore_mem>>) attributes {dimension_semantics = [#tpu.dimension_semantics<core_parallel>, #tpu.dimension_semantics<subcore_parallel>], iteration_bounds = array<i64: 2, 16>, scalar_prefetch = 0 : i64, scratch_operands = 13 : i64, tpu.core_type = #tpu.core_type<sc_vector_subcore>, window_params = [{transform_indices = #map}, {transform_indices = #map1}, {transform_indices = #map2}]} {
    %mul3A = arith.constant 2 : i32
    %mul3A_0 = arith.muli %arg1, %mul3A : i32
    %add3A = arith.addi %mul3A_0, %arg0 : i32
    %mul3A_1 = arith.constant 512 : i32
    %mul3A_2 = arith.muli %add3A, %mul3A_1 : i32
    %mul3A_3 = arith.constant 32 : i32
    %mul3A_4 = arith.muli %mul3A_2, %mul3A_3 : i32
    "tpu.region"() ({
      %run_scoped3A = tpu.sem_alloc : memref<!tpu.dma_semaphore, #tpu.memory_space<semaphore_mem>>
      %dma_start3A_111 = tpu.memref_slice %arg3[%mul3A_4] : memref<524288xi32, #tpu.memory_space<hbm>> -> memref<16384xi32, #tpu.memory_space<hbm>>
      %dma_start3A_112 = tpu.memref_slice %arg3[%mul3A_4] : memref<524288xi32, #tpu.memory_space<hbm>> -> memref<16384xi32, #tpu.memory_space<hbm>>
      tpu.enqueue_dma source(%dma_start3A_112 : memref<16384xi32, #tpu.memory_space<hbm>>) target(%arg5 : memref<16384xi32, #tpu.memory_space<vmem>>) target_semaphore(%run_scoped3A : memref<!tpu.dma_semaphore, #tpu.memory_space<semaphore_mem>>)
      %dma_wait3A_113 = tpu.memref_slice %arg3[%mul3A_4] : memref<524288xi32, #tpu.memory_space<hbm>> -> memref<16384xi32, #tpu.memory_space<hbm>>
      %dma_wait3A_114 = tpu.memref_slice %arg3[%mul3A_4] : memref<524288xi32, #tpu.memory_space<hbm>> -> memref<16384xi32, #tpu.memory_space<hbm>>
      tpu.wait_dma2 semaphore(%run_scoped3A : memref<!tpu.dma_semaphore, #tpu.memory_space<semaphore_mem>>) src(%dma_wait3A_114 : memref<16384xi32, #tpu.memory_space<hbm>>) dst(%arg5 : memref<16384xi32, #tpu.memory_space<vmem>>)
      tpu.yield
    }) : () -> ()
    %scan3A = arith.constant 0 : i32
    %scan3A_5 = arith.constant 32 : i32
    %scan3A_6 = arith.addi %scan3A, %scan3A_5 : i32
    %scan3A_7 = arith.constant 1 : i32
    scf.for %scan3A_111 = %scan3A to %scan3A_6 step %scan3A_7  : i32 {
      %mul3A_112 = arith.constant 1 : i32
      %mul3A_113 = arith.muli %scan3A_111, %mul3A_112 : i32
      %add3A_114 = arith.constant 0 : i32
      %add3A_115 = arith.addi %add3A_114, %mul3A_113 : i32
      %add3A_116 = arith.constant 0 : i32
      %add3A_117 = arith.addi %add3A_116, %add3A_115 : i32
      %mul3A_118 = arith.constant 32 : i32
      %mul3A_119 = arith.muli %add3A_117, %mul3A_118 : i32
      %dma_start3A_120 = arith.constant 0 : i32
      %dma_start3A_121 = arith.constant 0 : i32
      %dma_start3A_122 = tpu.memref_slice %arg6[%add3A_115, %dma_start3A_120, %dma_start3A_121] : memref<32x26x32xf32, #tpu.memory_space<vmem>> -> memref<1x26x32xf32, #tpu.memory_space<vmem>>
      %dma_start3A_123 = tpu.memref_squeeze %dma_start3A_122 : memref<1x26x32xf32, #tpu.memory_space<vmem>> -> memref<26x32xf32, #tpu.memory_space<vmem>>
      %dma_start3A_124 = tpu.memref_slice %arg5[%mul3A_119] : memref<16384xi32, #tpu.memory_space<vmem>> -> memref<26xi32, #tpu.memory_space<vmem>>
      %dma_start3A_125 = arith.constant 0 : i32
      %dma_start3A_126 = arith.constant 0 : i32
      %dma_start3A_127 = tpu.memref_slice %arg2[%dma_start3A_125, %dma_start3A_126] : memref<1000000x32xf32, #tpu.memory_space<hbm>> -> memref<1000000x32xf32, #tpu.memory_space<hbm>>
      tpu.enqueue_indirect_dma source(%dma_start3A_127 : memref<1000000x32xf32, #tpu.memory_space<hbm>>) target(%dma_start3A_123 : memref<26x32xf32, #tpu.memory_space<vmem>>) offsets(%dma_start3A_124 : memref<26xi32, #tpu.memory_space<vmem>>) semaphore(%arg10 : memref<!tpu.dma_semaphore, #tpu.memory_space<semaphore_mem>>)
    }
    %scan3A_8 = arith.constant 32 : i32
    %scan3A_9 = arith.constant 0 : i32
    %scan3A_10 = arith.constant 32 : i32
    %scan3A_11 = arith.addi %scan3A_9, %scan3A_10 : i32
    %scan3A_12 = arith.constant 1 : i32
    scf.for %scan3A_111 = %scan3A_9 to %scan3A_11 step %scan3A_12  : i32 {
      %mul3A_112 = arith.constant 1 : i32
      %mul3A_113 = arith.muli %scan3A_111, %mul3A_112 : i32
      %add3A_114 = arith.constant 0 : i32
      %add3A_115 = arith.addi %add3A_114, %mul3A_113 : i32
      %add3A_116 = arith.constant 32 : i32
      %add3A_117 = arith.addi %add3A_116, %add3A_115 : i32
      %mul3A_118 = arith.constant 32 : i32
      %mul3A_119 = arith.muli %add3A_117, %mul3A_118 : i32
      %dma_start3A_120 = arith.constant 0 : i32
      %dma_start3A_121 = arith.constant 0 : i32
      %dma_start3A_122 = tpu.memref_slice %arg7[%add3A_115, %dma_start3A_120, %dma_start3A_121] : memref<32x26x32xf32, #tpu.memory_space<vmem>> -> memref<1x26x32xf32, #tpu.memory_space<vmem>>
      %dma_start3A_123 = tpu.memref_squeeze %dma_start3A_122 : memref<1x26x32xf32, #tpu.memory_space<vmem>> -> memref<26x32xf32, #tpu.memory_space<vmem>>
      %dma_start3A_124 = tpu.memref_slice %arg5[%mul3A_119] : memref<16384xi32, #tpu.memory_space<vmem>> -> memref<26xi32, #tpu.memory_space<vmem>>
      %dma_start3A_125 = arith.constant 0 : i32
      %dma_start3A_126 = arith.constant 0 : i32
      %dma_start3A_127 = tpu.memref_slice %arg2[%dma_start3A_125, %dma_start3A_126] : memref<1000000x32xf32, #tpu.memory_space<hbm>> -> memref<1000000x32xf32, #tpu.memory_space<hbm>>
      tpu.enqueue_indirect_dma source(%dma_start3A_127 : memref<1000000x32xf32, #tpu.memory_space<hbm>>) target(%dma_start3A_123 : memref<26x32xf32, #tpu.memory_space<vmem>>) offsets(%dma_start3A_124 : memref<26xi32, #tpu.memory_space<vmem>>) semaphore(%arg11 : memref<!tpu.dma_semaphore, #tpu.memory_space<semaphore_mem>>)
    }
    %scan3A_13 = arith.constant 32 : i32
    %scan3A_14 = arith.constant 0 : i32
    %scan3A_15 = arith.constant 32 : i32
    %scan3A_16 = arith.addi %scan3A_14, %scan3A_15 : i32
    %scan3A_17 = arith.constant 1 : i32
    scf.for %scan3A_111 = %scan3A_14 to %scan3A_16 step %scan3A_17  : i32 {
      %mul3A_112 = arith.constant 1 : i32
      %mul3A_113 = arith.muli %scan3A_111, %mul3A_112 : i32
      %add3A_114 = arith.constant 0 : i32
      %add3A_115 = arith.addi %add3A_114, %mul3A_113 : i32
      %add3A_116 = arith.constant 64 : i32
      %add3A_117 = arith.addi %add3A_116, %add3A_115 : i32
      %mul3A_118 = arith.constant 32 : i32
      %mul3A_119 = arith.muli %add3A_117, %mul3A_118 : i32
      %dma_start3A_120 = arith.constant 0 : i32
      %dma_start3A_121 = arith.constant 0 : i32
      %dma_start3A_122 = tpu.memref_slice %arg8[%add3A_115, %dma_start3A_120, %dma_start3A_121] : memref<32x26x32xf32, #tpu.memory_space<vmem>> -> memref<1x26x32xf32, #tpu.memory_space<vmem>>
      %dma_start3A_123 = tpu.memref_squeeze %dma_start3A_122 : memref<1x26x32xf32, #tpu.memory_space<vmem>> -> memref<26x32xf32, #tpu.memory_space<vmem>>
      %dma_start3A_124 = tpu.memref_slice %arg5[%mul3A_119] : memref<16384xi32, #tpu.memory_space<vmem>> -> memref<26xi32, #tpu.memory_space<vmem>>
      %dma_start3A_125 = arith.constant 0 : i32
      %dma_start3A_126 = arith.constant 0 : i32
      %dma_start3A_127 = tpu.memref_slice %arg2[%dma_start3A_125, %dma_start3A_126] : memref<1000000x32xf32, #tpu.memory_space<hbm>> -> memref<1000000x32xf32, #tpu.memory_space<hbm>>
      tpu.enqueue_indirect_dma source(%dma_start3A_127 : memref<1000000x32xf32, #tpu.memory_space<hbm>>) target(%dma_start3A_123 : memref<26x32xf32, #tpu.memory_space<vmem>>) offsets(%dma_start3A_124 : memref<26xi32, #tpu.memory_space<vmem>>) semaphore(%arg12 : memref<!tpu.dma_semaphore, #tpu.memory_space<semaphore_mem>>)
    }
    %scan3A_18 = arith.constant 32 : i32
    %scan3A_19 = arith.constant 0 : i32
    %scan3A_20 = arith.constant 32 : i32
    %scan3A_21 = arith.addi %scan3A_19, %scan3A_20 : i32
    %scan3A_22 = arith.constant 1 : i32
    scf.for %scan3A_111 = %scan3A_19 to %scan3A_21 step %scan3A_22  : i32 {
      %mul3A_112 = arith.constant 1 : i32
      %mul3A_113 = arith.muli %scan3A_111, %mul3A_112 : i32
      %add3A_114 = arith.constant 0 : i32
      %add3A_115 = arith.addi %add3A_114, %mul3A_113 : i32
      %add3A_116 = arith.constant 96 : i32
      %add3A_117 = arith.addi %add3A_116, %add3A_115 : i32
      %mul3A_118 = arith.constant 32 : i32
      %mul3A_119 = arith.muli %add3A_117, %mul3A_118 : i32
      %dma_start3A_120 = arith.constant 0 : i32
      %dma_start3A_121 = arith.constant 0 : i32
      %dma_start3A_122 = tpu.memref_slice %arg9[%add3A_115, %dma_start3A_120, %dma_start3A_121] : memref<32x26x32xf32, #tpu.memory_space<vmem>> -> memref<1x26x32xf32, #tpu.memory_space<vmem>>
      %dma_start3A_123 = tpu.memref_squeeze %dma_start3A_122 : memref<1x26x32xf32, #tpu.memory_space<vmem>> -> memref<26x32xf32, #tpu.memory_space<vmem>>
      %dma_start3A_124 = tpu.memref_slice %arg5[%mul3A_119] : memref<16384xi32, #tpu.memory_space<vmem>> -> memref<26xi32, #tpu.memory_space<vmem>>
      %dma_start3A_125 = arith.constant 0 : i32
      %dma_start3A_126 = arith.constant 0 : i32
      %dma_start3A_127 = tpu.memref_slice %arg2[%dma_start3A_125, %dma_start3A_126] : memref<1000000x32xf32, #tpu.memory_space<hbm>> -> memref<1000000x32xf32, #tpu.memory_space<hbm>>
      tpu.enqueue_indirect_dma source(%dma_start3A_127 : memref<1000000x32xf32, #tpu.memory_space<hbm>>) target(%dma_start3A_123 : memref<26x32xf32, #tpu.memory_space<vmem>>) offsets(%dma_start3A_124 : memref<26xi32, #tpu.memory_space<vmem>>) semaphore(%arg13 : memref<!tpu.dma_semaphore, #tpu.memory_space<semaphore_mem>>)
    }
    %scan3A_23 = arith.constant 32 : i32
    %scan3A_24 = arith.constant 0 : i32
    %scan3A_25 = arith.constant 3 : i32
    %scan3A_26 = arith.addi %scan3A_24, %scan3A_25 : i32
    %scan3A_27 = arith.constant 1 : i32
    scf.for %scan3A_111 = %scan3A_24 to %scan3A_26 step %scan3A_27  : i32 {
      %mul3A_112 = arith.constant 4 : i32
      %mul3A_113 = arith.muli %scan3A_111, %mul3A_112 : i32
      %add3A_114 = arith.constant 0 : i32
      %add3A_115 = arith.addi %add3A_114, %mul3A_113 : i32
      %add3A_116 = arith.constant 0 : i32
      %add3A_117 = arith.addi %add3A_115, %add3A_116 : i32
      %scan3A_118 = arith.constant 0 : i32
      %scan3A_119 = arith.constant 32 : i32
      %scan3A_120 = arith.addi %scan3A_118, %scan3A_119 : i32
      %scan3A_121 = arith.constant 1 : i32
      scf.for %scan3A_268 = %scan3A_118 to %scan3A_120 step %scan3A_121  : i32 {
        %mul3A_269 = arith.constant 1 : i32
        %mul3A_270 = arith.muli %scan3A_268, %mul3A_269 : i32
        %add3A_271 = arith.constant 0 : i32
        %add3A_272 = arith.addi %add3A_271, %mul3A_270 : i32
        %mul3A_273 = arith.constant 32 : i32
        %mul3A_274 = arith.muli %add3A_117, %mul3A_273 : i32
        %add3A_275 = arith.addi %mul3A_274, %add3A_272 : i32
        %mul3A_276 = arith.constant 32 : i32
        %mul3A_277 = arith.muli %add3A_275, %mul3A_276 : i32
        %dma_wait3A_278 = arith.constant 0 : i32
        %dma_wait3A_279 = arith.constant 0 : i32
        %dma_wait3A_280 = tpu.memref_slice %arg6[%add3A_272, %dma_wait3A_278, %dma_wait3A_279] : memref<32x26x32xf32, #tpu.memory_space<vmem>> -> memref<1x26x32xf32, #tpu.memory_space<vmem>>
        %dma_wait3A_281 = tpu.memref_squeeze %dma_wait3A_280 : memref<1x26x32xf32, #tpu.memory_space<vmem>> -> memref<26x32xf32, #tpu.memory_space<vmem>>
        %dma_wait3A_282 = tpu.memref_slice %arg5[%mul3A_277] : memref<16384xi32, #tpu.memory_space<vmem>> -> memref<26xi32, #tpu.memory_space<vmem>>
        %dma_wait3A_283 = arith.constant 0 : i32
        %dma_wait3A_284 = arith.constant 0 : i32
        %dma_wait3A_285 = tpu.memref_slice %arg2[%dma_wait3A_283, %dma_wait3A_284] : memref<1000000x32xf32, #tpu.memory_space<hbm>> -> memref<1000000x32xf32, #tpu.memory_space<hbm>>
        tpu.wait_indirect_dma semaphore(%arg10 : memref<!tpu.dma_semaphore, #tpu.memory_space<semaphore_mem>>) src(%dma_wait3A_285 : memref<1000000x32xf32, #tpu.memory_space<hbm>>) dst(%dma_wait3A_281 : memref<26x32xf32, #tpu.memory_space<vmem>>)
      }
      %scan3A_122 = arith.constant 32 : i32
      %add3A_123 = arith.constant 0 : i32
      %add3A_124 = arith.addi %add3A_115, %add3A_123 : i32
      %mul3A_125 = arith.constant 32 : i32
      %mul3A_126 = arith.muli %add3A_124, %mul3A_125 : i32
      %add3A_127 = arith.addi %mul3A_2, %mul3A_126 : i32
      %dma_start3A_128 = arith.constant 0 : i32
      %dma_start3A_129 = arith.constant 0 : i32
      %dma_start3A_130 = tpu.memref_slice %arg4[%add3A_127, %dma_start3A_128, %dma_start3A_129] : memref<16384x26x32xf32, #tpu.memory_space<hbm>> -> memref<32x26x32xf32, #tpu.memory_space<hbm>>
      %dma_start3A_131 = arith.constant 0 : i32
      %dma_start3A_132 = arith.constant 0 : i32
      %dma_start3A_133 = tpu.memref_slice %arg4[%add3A_127, %dma_start3A_131, %dma_start3A_132] : memref<16384x26x32xf32, #tpu.memory_space<hbm>> -> memref<32x26x32xf32, #tpu.memory_space<hbm>>
      tpu.enqueue_dma source(%arg6 : memref<32x26x32xf32, #tpu.memory_space<vmem>>) target(%dma_start3A_133 : memref<32x26x32xf32, #tpu.memory_space<hbm>>) target_semaphore(%arg14 : memref<!tpu.dma_semaphore, #tpu.memory_space<semaphore_mem>>)
      %add3A_134 = arith.constant 1 : i32
      %add3A_135 = arith.addi %add3A_115, %add3A_134 : i32
      %scan3A_136 = arith.constant 0 : i32
      %scan3A_137 = arith.constant 32 : i32
      %scan3A_138 = arith.addi %scan3A_136, %scan3A_137 : i32
      %scan3A_139 = arith.constant 1 : i32
      scf.for %scan3A_268 = %scan3A_136 to %scan3A_138 step %scan3A_139  : i32 {
        %mul3A_269 = arith.constant 1 : i32
        %mul3A_270 = arith.muli %scan3A_268, %mul3A_269 : i32
        %add3A_271 = arith.constant 0 : i32
        %add3A_272 = arith.addi %add3A_271, %mul3A_270 : i32
        %mul3A_273 = arith.constant 32 : i32
        %mul3A_274 = arith.muli %add3A_135, %mul3A_273 : i32
        %add3A_275 = arith.addi %mul3A_274, %add3A_272 : i32
        %mul3A_276 = arith.constant 32 : i32
        %mul3A_277 = arith.muli %add3A_275, %mul3A_276 : i32
        %dma_wait3A_278 = arith.constant 0 : i32
        %dma_wait3A_279 = arith.constant 0 : i32
        %dma_wait3A_280 = tpu.memref_slice %arg7[%add3A_272, %dma_wait3A_278, %dma_wait3A_279] : memref<32x26x32xf32, #tpu.memory_space<vmem>> -> memref<1x26x32xf32, #tpu.memory_space<vmem>>
        %dma_wait3A_281 = tpu.memref_squeeze %dma_wait3A_280 : memref<1x26x32xf32, #tpu.memory_space<vmem>> -> memref<26x32xf32, #tpu.memory_space<vmem>>
        %dma_wait3A_282 = tpu.memref_slice %arg5[%mul3A_277] : memref<16384xi32, #tpu.memory_space<vmem>> -> memref<26xi32, #tpu.memory_space<vmem>>
        %dma_wait3A_283 = arith.constant 0 : i32
        %dma_wait3A_284 = arith.constant 0 : i32
        %dma_wait3A_285 = tpu.memref_slice %arg2[%dma_wait3A_283, %dma_wait3A_284] : memref<1000000x32xf32, #tpu.memory_space<hbm>> -> memref<1000000x32xf32, #tpu.memory_space<hbm>>
        tpu.wait_indirect_dma semaphore(%arg11 : memref<!tpu.dma_semaphore, #tpu.memory_space<semaphore_mem>>) src(%dma_wait3A_285 : memref<1000000x32xf32, #tpu.memory_space<hbm>>) dst(%dma_wait3A_281 : memref<26x32xf32, #tpu.memory_space<vmem>>)
      }
      %scan3A_140 = arith.constant 32 : i32
      %add3A_141 = arith.constant 1 : i32
      %add3A_142 = arith.addi %add3A_115, %add3A_141 : i32
      %mul3A_143 = arith.constant 32 : i32
      %mul3A_144 = arith.muli %add3A_142, %mul3A_143 : i32
      %add3A_145 = arith.addi %mul3A_2, %mul3A_144 : i32
      %dma_start3A_146 = arith.constant 0 : i32
      %dma_start3A_147 = arith.constant 0 : i32
      %dma_start3A_148 = tpu.memref_slice %arg4[%add3A_145, %dma_start3A_146, %dma_start3A_147] : memref<16384x26x32xf32, #tpu.memory_space<hbm>> -> memref<32x26x32xf32, #tpu.memory_space<hbm>>
      %dma_start3A_149 = arith.constant 0 : i32
      %dma_start3A_150 = arith.constant 0 : i32
      %dma_start3A_151 = tpu.memref_slice %arg4[%add3A_145, %dma_start3A_149, %dma_start3A_150] : memref<16384x26x32xf32, #tpu.memory_space<hbm>> -> memref<32x26x32xf32, #tpu.memory_space<hbm>>
      tpu.enqueue_dma source(%arg7 : memref<32x26x32xf32, #tpu.memory_space<vmem>>) target(%dma_start3A_151 : memref<32x26x32xf32, #tpu.memory_space<hbm>>) target_semaphore(%arg15 : memref<!tpu.dma_semaphore, #tpu.memory_space<semaphore_mem>>)
      %add3A_152 = arith.constant 2 : i32
      %add3A_153 = arith.addi %add3A_115, %add3A_152 : i32
      %scan3A_154 = arith.constant 0 : i32
      %scan3A_155 = arith.constant 32 : i32
      %scan3A_156 = arith.addi %scan3A_154, %scan3A_155 : i32
      %scan3A_157 = arith.constant 1 : i32
      scf.for %scan3A_268 = %scan3A_154 to %scan3A_156 step %scan3A_157  : i32 {
        %mul3A_269 = arith.constant 1 : i32
        %mul3A_270 = arith.muli %scan3A_268, %mul3A_269 : i32
        %add3A_271 = arith.constant 0 : i32
        %add3A_272 = arith.addi %add3A_271, %mul3A_270 : i32
        %mul3A_273 = arith.constant 32 : i32
        %mul3A_274 = arith.muli %add3A_153, %mul3A_273 : i32
        %add3A_275 = arith.addi %mul3A_274, %add3A_272 : i32
        %mul3A_276 = arith.constant 32 : i32
        %mul3A_277 = arith.muli %add3A_275, %mul3A_276 : i32
        %dma_wait3A_278 = arith.constant 0 : i32
        %dma_wait3A_279 = arith.constant 0 : i32
        %dma_wait3A_280 = tpu.memref_slice %arg8[%add3A_272, %dma_wait3A_278, %dma_wait3A_279] : memref<32x26x32xf32, #tpu.memory_space<vmem>> -> memref<1x26x32xf32, #tpu.memory_space<vmem>>
        %dma_wait3A_281 = tpu.memref_squeeze %dma_wait3A_280 : memref<1x26x32xf32, #tpu.memory_space<vmem>> -> memref<26x32xf32, #tpu.memory_space<vmem>>
        %dma_wait3A_282 = tpu.memref_slice %arg5[%mul3A_277] : memref<16384xi32, #tpu.memory_space<vmem>> -> memref<26xi32, #tpu.memory_space<vmem>>
        %dma_wait3A_283 = arith.constant 0 : i32
        %dma_wait3A_284 = arith.constant 0 : i32
        %dma_wait3A_285 = tpu.memref_slice %arg2[%dma_wait3A_283, %dma_wait3A_284] : memref<1000000x32xf32, #tpu.memory_space<hbm>> -> memref<1000000x32xf32, #tpu.memory_space<hbm>>
        tpu.wait_indirect_dma semaphore(%arg12 : memref<!tpu.dma_semaphore, #tpu.memory_space<semaphore_mem>>) src(%dma_wait3A_285 : memref<1000000x32xf32, #tpu.memory_space<hbm>>) dst(%dma_wait3A_281 : memref<26x32xf32, #tpu.memory_space<vmem>>)
      }
      %scan3A_158 = arith.constant 32 : i32
      %add3A_159 = arith.constant 2 : i32
      %add3A_160 = arith.addi %add3A_115, %add3A_159 : i32
      %mul3A_161 = arith.constant 32 : i32
      %mul3A_162 = arith.muli %add3A_160, %mul3A_161 : i32
      %add3A_163 = arith.addi %mul3A_2, %mul3A_162 : i32
      %dma_start3A_164 = arith.constant 0 : i32
      %dma_start3A_165 = arith.constant 0 : i32
      %dma_start3A_166 = tpu.memref_slice %arg4[%add3A_163, %dma_start3A_164, %dma_start3A_165] : memref<16384x26x32xf32, #tpu.memory_space<hbm>> -> memref<32x26x32xf32, #tpu.memory_space<hbm>>
      %dma_start3A_167 = arith.constant 0 : i32
      %dma_start3A_168 = arith.constant 0 : i32
      %dma_start3A_169 = tpu.memref_slice %arg4[%add3A_163, %dma_start3A_167, %dma_start3A_168] : memref<16384x26x32xf32, #tpu.memory_space<hbm>> -> memref<32x26x32xf32, #tpu.memory_space<hbm>>
      tpu.enqueue_dma source(%arg8 : memref<32x26x32xf32, #tpu.memory_space<vmem>>) target(%dma_start3A_169 : memref<32x26x32xf32, #tpu.memory_space<hbm>>) target_semaphore(%arg16 : memref<!tpu.dma_semaphore, #tpu.memory_space<semaphore_mem>>)
      %add3A_170 = arith.constant 3 : i32
      %add3A_171 = arith.addi %add3A_115, %add3A_170 : i32
      %scan3A_172 = arith.constant 0 : i32
      %scan3A_173 = arith.constant 32 : i32
      %scan3A_174 = arith.addi %scan3A_172, %scan3A_173 : i32
      %scan3A_175 = arith.constant 1 : i32
      scf.for %scan3A_268 = %scan3A_172 to %scan3A_174 step %scan3A_175  : i32 {
        %mul3A_269 = arith.constant 1 : i32
        %mul3A_270 = arith.muli %scan3A_268, %mul3A_269 : i32
        %add3A_271 = arith.constant 0 : i32
        %add3A_272 = arith.addi %add3A_271, %mul3A_270 : i32
        %mul3A_273 = arith.constant 32 : i32
        %mul3A_274 = arith.muli %add3A_171, %mul3A_273 : i32
        %add3A_275 = arith.addi %mul3A_274, %add3A_272 : i32
        %mul3A_276 = arith.constant 32 : i32
        %mul3A_277 = arith.muli %add3A_275, %mul3A_276 : i32
        %dma_wait3A_278 = arith.constant 0 : i32
        %dma_wait3A_279 = arith.constant 0 : i32
        %dma_wait3A_280 = tpu.memref_slice %arg9[%add3A_272, %dma_wait3A_278, %dma_wait3A_279] : memref<32x26x32xf32, #tpu.memory_space<vmem>> -> memref<1x26x32xf32, #tpu.memory_space<vmem>>
        %dma_wait3A_281 = tpu.memref_squeeze %dma_wait3A_280 : memref<1x26x32xf32, #tpu.memory_space<vmem>> -> memref<26x32xf32, #tpu.memory_space<vmem>>
        %dma_wait3A_282 = tpu.memref_slice %arg5[%mul3A_277] : memref<16384xi32, #tpu.memory_space<vmem>> -> memref<26xi32, #tpu.memory_space<vmem>>
        %dma_wait3A_283 = arith.constant 0 : i32
        %dma_wait3A_284 = arith.constant 0 : i32
        %dma_wait3A_285 = tpu.memref_slice %arg2[%dma_wait3A_283, %dma_wait3A_284] : memref<1000000x32xf32, #tpu.memory_space<hbm>> -> memref<1000000x32xf32, #tpu.memory_space<hbm>>
        tpu.wait_indirect_dma semaphore(%arg13 : memref<!tpu.dma_semaphore, #tpu.memory_space<semaphore_mem>>) src(%dma_wait3A_285 : memref<1000000x32xf32, #tpu.memory_space<hbm>>) dst(%dma_wait3A_281 : memref<26x32xf32, #tpu.memory_space<vmem>>)
      }
      %scan3A_176 = arith.constant 32 : i32
      %add3A_177 = arith.constant 3 : i32
      %add3A_178 = arith.addi %add3A_115, %add3A_177 : i32
      %mul3A_179 = arith.constant 32 : i32
      %mul3A_180 = arith.muli %add3A_178, %mul3A_179 : i32
      %add3A_181 = arith.addi %mul3A_2, %mul3A_180 : i32
      %dma_start3A_182 = arith.constant 0 : i32
      %dma_start3A_183 = arith.constant 0 : i32
      %dma_start3A_184 = tpu.memref_slice %arg4[%add3A_181, %dma_start3A_182, %dma_start3A_183] : memref<16384x26x32xf32, #tpu.memory_space<hbm>> -> memref<32x26x32xf32, #tpu.memory_space<hbm>>
      %dma_start3A_185 = arith.constant 0 : i32
      %dma_start3A_186 = arith.constant 0 : i32
      %dma_start3A_187 = tpu.memref_slice %arg4[%add3A_181, %dma_start3A_185, %dma_start3A_186] : memref<16384x26x32xf32, #tpu.memory_space<hbm>> -> memref<32x26x32xf32, #tpu.memory_space<hbm>>
      tpu.enqueue_dma source(%arg9 : memref<32x26x32xf32, #tpu.memory_space<vmem>>) target(%dma_start3A_187 : memref<32x26x32xf32, #tpu.memory_space<hbm>>) target_semaphore(%arg17 : memref<!tpu.dma_semaphore, #tpu.memory_space<semaphore_mem>>)
      %add3A_188 = arith.constant 0 : i32
      %add3A_189 = arith.addi %add3A_115, %add3A_188 : i32
      %mul3A_190 = arith.constant 32 : i32
      %mul3A_191 = arith.muli %add3A_189, %mul3A_190 : i32
      %add3A_192 = arith.addi %mul3A_2, %mul3A_191 : i32
      %dma_wait3A_193 = arith.constant 0 : i32
      %dma_wait3A_194 = arith.constant 0 : i32
      %dma_wait3A_195 = tpu.memref_slice %arg4[%add3A_192, %dma_wait3A_193, %dma_wait3A_194] : memref<16384x26x32xf32, #tpu.memory_space<hbm>> -> memref<32x26x32xf32, #tpu.memory_space<hbm>>
      %dma_wait3A_196 = arith.constant 0 : i32
      %dma_wait3A_197 = arith.constant 0 : i32
      %dma_wait3A_198 = tpu.memref_slice %arg4[%add3A_192, %dma_wait3A_196, %dma_wait3A_197] : memref<16384x26x32xf32, #tpu.memory_space<hbm>> -> memref<32x26x32xf32, #tpu.memory_space<hbm>>
      tpu.wait_dma2 semaphore(%arg14 : memref<!tpu.dma_semaphore, #tpu.memory_space<semaphore_mem>>) src(%arg6 : memref<32x26x32xf32, #tpu.memory_space<vmem>>) dst(%dma_wait3A_198 : memref<32x26x32xf32, #tpu.memory_space<hbm>>)
      %add3A_199 = arith.constant 0 : i32
      %add3A_200 = arith.addi %add3A_115, %add3A_199 : i32
      %add3A_201 = arith.constant 4 : i32
      %add3A_202 = arith.addi %add3A_200, %add3A_201 : i32
      %scan3A_203 = arith.constant 0 : i32
      %scan3A_204 = arith.constant 32 : i32
      %scan3A_205 = arith.addi %scan3A_203, %scan3A_204 : i32
      %scan3A_206 = arith.constant 1 : i32
      scf.for %scan3A_268 = %scan3A_203 to %scan3A_205 step %scan3A_206  : i32 {
        %mul3A_269 = arith.constant 1 : i32
        %mul3A_270 = arith.muli %scan3A_268, %mul3A_269 : i32
        %add3A_271 = arith.constant 0 : i32
        %add3A_272 = arith.addi %add3A_271, %mul3A_270 : i32
        %mul3A_273 = arith.constant 32 : i32
        %mul3A_274 = arith.muli %add3A_202, %mul3A_273 : i32
        %add3A_275 = arith.addi %mul3A_274, %add3A_272 : i32
        %mul3A_276 = arith.constant 32 : i32
        %mul3A_277 = arith.muli %add3A_275, %mul3A_276 : i32
        %dma_start3A_278 = arith.constant 0 : i32
        %dma_start3A_279 = arith.constant 0 : i32
        %dma_start3A_280 = tpu.memref_slice %arg6[%add3A_272, %dma_start3A_278, %dma_start3A_279] : memref<32x26x32xf32, #tpu.memory_space<vmem>> -> memref<1x26x32xf32, #tpu.memory_space<vmem>>
        %dma_start3A_281 = tpu.memref_squeeze %dma_start3A_280 : memref<1x26x32xf32, #tpu.memory_space<vmem>> -> memref<26x32xf32, #tpu.memory_space<vmem>>
        %dma_start3A_282 = tpu.memref_slice %arg5[%mul3A_277] : memref<16384xi32, #tpu.memory_space<vmem>> -> memref<26xi32, #tpu.memory_space<vmem>>
        %dma_start3A_283 = arith.constant 0 : i32
        %dma_start3A_284 = arith.constant 0 : i32
        %dma_start3A_285 = tpu.memref_slice %arg2[%dma_start3A_283, %dma_start3A_284] : memref<1000000x32xf32, #tpu.memory_space<hbm>> -> memref<1000000x32xf32, #tpu.memory_space<hbm>>
        tpu.enqueue_indirect_dma source(%dma_start3A_285 : memref<1000000x32xf32, #tpu.memory_space<hbm>>) target(%dma_start3A_281 : memref<26x32xf32, #tpu.memory_space<vmem>>) offsets(%dma_start3A_282 : memref<26xi32, #tpu.memory_space<vmem>>) semaphore(%arg10 : memref<!tpu.dma_semaphore, #tpu.memory_space<semaphore_mem>>)
      }
      %scan3A_207 = arith.constant 32 : i32
      %add3A_208 = arith.constant 1 : i32
      %add3A_209 = arith.addi %add3A_115, %add3A_208 : i32
      %mul3A_210 = arith.constant 32 : i32
      %mul3A_211 = arith.muli %add3A_209, %mul3A_210 : i32
      %add3A_212 = arith.addi %mul3A_2, %mul3A_211 : i32
      %dma_wait3A_213 = arith.constant 0 : i32
      %dma_wait3A_214 = arith.constant 0 : i32
      %dma_wait3A_215 = tpu.memref_slice %arg4[%add3A_212, %dma_wait3A_213, %dma_wait3A_214] : memref<16384x26x32xf32, #tpu.memory_space<hbm>> -> memref<32x26x32xf32, #tpu.memory_space<hbm>>
      %dma_wait3A_216 = arith.constant 0 : i32
      %dma_wait3A_217 = arith.constant 0 : i32
      %dma_wait3A_218 = tpu.memref_slice %arg4[%add3A_212, %dma_wait3A_216, %dma_wait3A_217] : memref<16384x26x32xf32, #tpu.memory_space<hbm>> -> memref<32x26x32xf32, #tpu.memory_space<hbm>>
      tpu.wait_dma2 semaphore(%arg15 : memref<!tpu.dma_semaphore, #tpu.memory_space<semaphore_mem>>) src(%arg7 : memref<32x26x32xf32, #tpu.memory_space<vmem>>) dst(%dma_wait3A_218 : memref<32x26x32xf32, #tpu.memory_space<hbm>>)
      %add3A_219 = arith.constant 1 : i32
      %add3A_220 = arith.addi %add3A_115, %add3A_219 : i32
      %add3A_221 = arith.constant 4 : i32
      %add3A_222 = arith.addi %add3A_220, %add3A_221 : i32
      %scan3A_223 = arith.constant 0 : i32
      %scan3A_224 = arith.constant 32 : i32
      %scan3A_225 = arith.addi %scan3A_223, %scan3A_224 : i32
      %scan3A_226 = arith.constant 1 : i32
      scf.for %scan3A_268 = %scan3A_223 to %scan3A_225 step %scan3A_226  : i32 {
        %mul3A_269 = arith.constant 1 : i32
        %mul3A_270 = arith.muli %scan3A_268, %mul3A_269 : i32
        %add3A_271 = arith.constant 0 : i32
        %add3A_272 = arith.addi %add3A_271, %mul3A_270 : i32
        %mul3A_273 = arith.constant 32 : i32
        %mul3A_274 = arith.muli %add3A_222, %mul3A_273 : i32
        %add3A_275 = arith.addi %mul3A_274, %add3A_272 : i32
        %mul3A_276 = arith.constant 32 : i32
        %mul3A_277 = arith.muli %add3A_275, %mul3A_276 : i32
        %dma_start3A_278 = arith.constant 0 : i32
        %dma_start3A_279 = arith.constant 0 : i32
        %dma_start3A_280 = tpu.memref_slice %arg7[%add3A_272, %dma_start3A_278, %dma_start3A_279] : memref<32x26x32xf32, #tpu.memory_space<vmem>> -> memref<1x26x32xf32, #tpu.memory_space<vmem>>
        %dma_start3A_281 = tpu.memref_squeeze %dma_start3A_280 : memref<1x26x32xf32, #tpu.memory_space<vmem>> -> memref<26x32xf32, #tpu.memory_space<vmem>>
        %dma_start3A_282 = tpu.memref_slice %arg5[%mul3A_277] : memref<16384xi32, #tpu.memory_space<vmem>> -> memref<26xi32, #tpu.memory_space<vmem>>
        %dma_start3A_283 = arith.constant 0 : i32
        %dma_start3A_284 = arith.constant 0 : i32
        %dma_start3A_285 = tpu.memref_slice %arg2[%dma_start3A_283, %dma_start3A_284] : memref<1000000x32xf32, #tpu.memory_space<hbm>> -> memref<1000000x32xf32, #tpu.memory_space<hbm>>
        tpu.enqueue_indirect_dma source(%dma_start3A_285 : memref<1000000x32xf32, #tpu.memory_space<hbm>>) target(%dma_start3A_281 : memref<26x32xf32, #tpu.memory_space<vmem>>) offsets(%dma_start3A_282 : memref<26xi32, #tpu.memory_space<vmem>>) semaphore(%arg11 : memref<!tpu.dma_semaphore, #tpu.memory_space<semaphore_mem>>)
      }
      %scan3A_227 = arith.constant 32 : i32
      %add3A_228 = arith.constant 2 : i32
      %add3A_229 = arith.addi %add3A_115, %add3A_228 : i32
      %mul3A_230 = arith.constant 32 : i32
      %mul3A_231 = arith.muli %add3A_229, %mul3A_230 : i32
      %add3A_232 = arith.addi %mul3A_2, %mul3A_231 : i32
      %dma_wait3A_233 = arith.constant 0 : i32
      %dma_wait3A_234 = arith.constant 0 : i32
      %dma_wait3A_235 = tpu.memref_slice %arg4[%add3A_232, %dma_wait3A_233, %dma_wait3A_234] : memref<16384x26x32xf32, #tpu.memory_space<hbm>> -> memref<32x26x32xf32, #tpu.memory_space<hbm>>
      %dma_wait3A_236 = arith.constant 0 : i32
      %dma_wait3A_237 = arith.constant 0 : i32
      %dma_wait3A_238 = tpu.memref_slice %arg4[%add3A_232, %dma_wait3A_236, %dma_wait3A_237] : memref<16384x26x32xf32, #tpu.memory_space<hbm>> -> memref<32x26x32xf32, #tpu.memory_space<hbm>>
      tpu.wait_dma2 semaphore(%arg16 : memref<!tpu.dma_semaphore, #tpu.memory_space<semaphore_mem>>) src(%arg8 : memref<32x26x32xf32, #tpu.memory_space<vmem>>) dst(%dma_wait3A_238 : memref<32x26x32xf32, #tpu.memory_space<hbm>>)
      %add3A_239 = arith.constant 2 : i32
      %add3A_240 = arith.addi %add3A_115, %add3A_239 : i32
      %add3A_241 = arith.constant 4 : i32
      %add3A_242 = arith.addi %add3A_240, %add3A_241 : i32
      %scan3A_243 = arith.constant 0 : i32
      %scan3A_244 = arith.constant 32 : i32
      %scan3A_245 = arith.addi %scan3A_243, %scan3A_244 : i32
      %scan3A_246 = arith.constant 1 : i32
      scf.for %scan3A_268 = %scan3A_243 to %scan3A_245 step %scan3A_246  : i32 {
        %mul3A_269 = arith.constant 1 : i32
        %mul3A_270 = arith.muli %scan3A_268, %mul3A_269 : i32
        %add3A_271 = arith.constant 0 : i32
        %add3A_272 = arith.addi %add3A_271, %mul3A_270 : i32
        %mul3A_273 = arith.constant 32 : i32
        %mul3A_274 = arith.muli %add3A_242, %mul3A_273 : i32
        %add3A_275 = arith.addi %mul3A_274, %add3A_272 : i32
        %mul3A_276 = arith.constant 32 : i32
        %mul3A_277 = arith.muli %add3A_275, %mul3A_276 : i32
        %dma_start3A_278 = arith.constant 0 : i32
        %dma_start3A_279 = arith.constant 0 : i32
        %dma_start3A_280 = tpu.memref_slice %arg8[%add3A_272, %dma_start3A_278, %dma_start3A_279] : memref<32x26x32xf32, #tpu.memory_space<vmem>> -> memref<1x26x32xf32, #tpu.memory_space<vmem>>
        %dma_start3A_281 = tpu.memref_squeeze %dma_start3A_280 : memref<1x26x32xf32, #tpu.memory_space<vmem>> -> memref<26x32xf32, #tpu.memory_space<vmem>>
        %dma_start3A_282 = tpu.memref_slice %arg5[%mul3A_277] : memref<16384xi32, #tpu.memory_space<vmem>> -> memref<26xi32, #tpu.memory_space<vmem>>
        %dma_start3A_283 = arith.constant 0 : i32
        %dma_start3A_284 = arith.constant 0 : i32
        %dma_start3A_285 = tpu.memref_slice %arg2[%dma_start3A_283, %dma_start3A_284] : memref<1000000x32xf32, #tpu.memory_space<hbm>> -> memref<1000000x32xf32, #tpu.memory_space<hbm>>
        tpu.enqueue_indirect_dma source(%dma_start3A_285 : memref<1000000x32xf32, #tpu.memory_space<hbm>>) target(%dma_start3A_281 : memref<26x32xf32, #tpu.memory_space<vmem>>) offsets(%dma_start3A_282 : memref<26xi32, #tpu.memory_space<vmem>>) semaphore(%arg12 : memref<!tpu.dma_semaphore, #tpu.memory_space<semaphore_mem>>)
      }
      %scan3A_247 = arith.constant 32 : i32
      %add3A_248 = arith.constant 3 : i32
      %add3A_249 = arith.addi %add3A_115, %add3A_248 : i32
      %mul3A_250 = arith.constant 32 : i32
      %mul3A_251 = arith.muli %add3A_249, %mul3A_250 : i32
      %add3A_252 = arith.addi %mul3A_2, %mul3A_251 : i32
      %dma_wait3A_253 = arith.constant 0 : i32
      %dma_wait3A_254 = arith.constant 0 : i32
      %dma_wait3A_255 = tpu.memref_slice %arg4[%add3A_252, %dma_wait3A_253, %dma_wait3A_254] : memref<16384x26x32xf32, #tpu.memory_space<hbm>> -> memref<32x26x32xf32, #tpu.memory_space<hbm>>
      %dma_wait3A_256 = arith.constant 0 : i32
      %dma_wait3A_257 = arith.constant 0 : i32
      %dma_wait3A_258 = tpu.memref_slice %arg4[%add3A_252, %dma_wait3A_256, %dma_wait3A_257] : memref<16384x26x32xf32, #tpu.memory_space<hbm>> -> memref<32x26x32xf32, #tpu.memory_space<hbm>>
      tpu.wait_dma2 semaphore(%arg17 : memref<!tpu.dma_semaphore, #tpu.memory_space<semaphore_mem>>) src(%arg9 : memref<32x26x32xf32, #tpu.memory_space<vmem>>) dst(%dma_wait3A_258 : memref<32x26x32xf32, #tpu.memory_space<hbm>>)
      %add3A_259 = arith.constant 3 : i32
      %add3A_260 = arith.addi %add3A_115, %add3A_259 : i32
      %add3A_261 = arith.constant 4 : i32
      %add3A_262 = arith.addi %add3A_260, %add3A_261 : i32
      %scan3A_263 = arith.constant 0 : i32
      %scan3A_264 = arith.constant 32 : i32
      %scan3A_265 = arith.addi %scan3A_263, %scan3A_264 : i32
      %scan3A_266 = arith.constant 1 : i32
      scf.for %scan3A_268 = %scan3A_263 to %scan3A_265 step %scan3A_266  : i32 {
        %mul3A_269 = arith.constant 1 : i32
        %mul3A_270 = arith.muli %scan3A_268, %mul3A_269 : i32
        %add3A_271 = arith.constant 0 : i32
        %add3A_272 = arith.addi %add3A_271, %mul3A_270 : i32
        %mul3A_273 = arith.constant 32 : i32
        %mul3A_274 = arith.muli %add3A_262, %mul3A_273 : i32
        %add3A_275 = arith.addi %mul3A_274, %add3A_272 : i32
        %mul3A_276 = arith.constant 32 : i32
        %mul3A_277 = arith.muli %add3A_275, %mul3A_276 : i32
        %dma_start3A_278 = arith.constant 0 : i32
        %dma_start3A_279 = arith.constant 0 : i32
        %dma_start3A_280 = tpu.memref_slice %arg9[%add3A_272, %dma_start3A_278, %dma_start3A_279] : memref<32x26x32xf32, #tpu.memory_space<vmem>> -> memref<1x26x32xf32, #tpu.memory_space<vmem>>
        %dma_start3A_281 = tpu.memref_squeeze %dma_start3A_280 : memref<1x26x32xf32, #tpu.memory_space<vmem>> -> memref<26x32xf32, #tpu.memory_space<vmem>>
        %dma_start3A_282 = tpu.memref_slice %arg5[%mul3A_277] : memref<16384xi32, #tpu.memory_space<vmem>> -> memref<26xi32, #tpu.memory_space<vmem>>
        %dma_start3A_283 = arith.constant 0 : i32
        %dma_start3A_284 = arith.constant 0 : i32
        %dma_start3A_285 = tpu.memref_slice %arg2[%dma_start3A_283, %dma_start3A_284] : memref<1000000x32xf32, #tpu.memory_space<hbm>> -> memref<1000000x32xf32, #tpu.memory_space<hbm>>
        tpu.enqueue_indirect_dma source(%dma_start3A_285 : memref<1000000x32xf32, #tpu.memory_space<hbm>>) target(%dma_start3A_281 : memref<26x32xf32, #tpu.memory_space<vmem>>) offsets(%dma_start3A_282 : memref<26xi32, #tpu.memory_space<vmem>>) semaphore(%arg13 : memref<!tpu.dma_semaphore, #tpu.memory_space<semaphore_mem>>)
      }
      %scan3A_267 = arith.constant 32 : i32
    }
    %scan3A_28 = arith.constant 3 : i32
    %scan3A_29 = arith.constant 0 : i32
    %scan3A_30 = arith.constant 32 : i32
    %scan3A_31 = arith.addi %scan3A_29, %scan3A_30 : i32
    %scan3A_32 = arith.constant 1 : i32
    scf.for %scan3A_111 = %scan3A_29 to %scan3A_31 step %scan3A_32  : i32 {
      %mul3A_112 = arith.constant 1 : i32
      %mul3A_113 = arith.muli %scan3A_111, %mul3A_112 : i32
      %add3A_114 = arith.constant 0 : i32
      %add3A_115 = arith.addi %add3A_114, %mul3A_113 : i32
      %add3A_116 = arith.constant 384 : i32
      %add3A_117 = arith.addi %add3A_116, %add3A_115 : i32
      %mul3A_118 = arith.constant 32 : i32
      %mul3A_119 = arith.muli %add3A_117, %mul3A_118 : i32
      %dma_wait3A_120 = arith.constant 0 : i32
      %dma_wait3A_121 = arith.constant 0 : i32
      %dma_wait3A_122 = tpu.memref_slice %arg6[%add3A_115, %dma_wait3A_120, %dma_wait3A_121] : memref<32x26x32xf32, #tpu.memory_space<vmem>> -> memref<1x26x32xf32, #tpu.memory_space<vmem>>
      %dma_wait3A_123 = tpu.memref_squeeze %dma_wait3A_122 : memref<1x26x32xf32, #tpu.memory_space<vmem>> -> memref<26x32xf32, #tpu.memory_space<vmem>>
      %dma_wait3A_124 = tpu.memref_slice %arg5[%mul3A_119] : memref<16384xi32, #tpu.memory_space<vmem>> -> memref<26xi32, #tpu.memory_space<vmem>>
      %dma_wait3A_125 = arith.constant 0 : i32
      %dma_wait3A_126 = arith.constant 0 : i32
      %dma_wait3A_127 = tpu.memref_slice %arg2[%dma_wait3A_125, %dma_wait3A_126] : memref<1000000x32xf32, #tpu.memory_space<hbm>> -> memref<1000000x32xf32, #tpu.memory_space<hbm>>
      tpu.wait_indirect_dma semaphore(%arg10 : memref<!tpu.dma_semaphore, #tpu.memory_space<semaphore_mem>>) src(%dma_wait3A_127 : memref<1000000x32xf32, #tpu.memory_space<hbm>>) dst(%dma_wait3A_123 : memref<26x32xf32, #tpu.memory_space<vmem>>)
    }
    %scan3A_33 = arith.constant 32 : i32
    %add3A_34 = arith.constant 384 : i32
    %add3A_35 = arith.addi %mul3A_2, %add3A_34 : i32
    %dma_start3A = arith.constant 0 : i32
    %dma_start3A_36 = arith.constant 0 : i32
    %dma_start3A_37 = tpu.memref_slice %arg4[%add3A_35, %dma_start3A, %dma_start3A_36] : memref<16384x26x32xf32, #tpu.memory_space<hbm>> -> memref<32x26x32xf32, #tpu.memory_space<hbm>>
    %dma_start3A_38 = arith.constant 0 : i32
    %dma_start3A_39 = arith.constant 0 : i32
    %dma_start3A_40 = tpu.memref_slice %arg4[%add3A_35, %dma_start3A_38, %dma_start3A_39] : memref<16384x26x32xf32, #tpu.memory_space<hbm>> -> memref<32x26x32xf32, #tpu.memory_space<hbm>>
    tpu.enqueue_dma source(%arg6 : memref<32x26x32xf32, #tpu.memory_space<vmem>>) target(%dma_start3A_40 : memref<32x26x32xf32, #tpu.memory_space<hbm>>) target_semaphore(%arg14 : memref<!tpu.dma_semaphore, #tpu.memory_space<semaphore_mem>>)
    %scan3A_41 = arith.constant 0 : i32
    %scan3A_42 = arith.constant 32 : i32
    %scan3A_43 = arith.addi %scan3A_41, %scan3A_42 : i32
    %scan3A_44 = arith.constant 1 : i32
    scf.for %scan3A_111 = %scan3A_41 to %scan3A_43 step %scan3A_44  : i32 {
      %mul3A_112 = arith.constant 1 : i32
      %mul3A_113 = arith.muli %scan3A_111, %mul3A_112 : i32
      %add3A_114 = arith.constant 0 : i32
      %add3A_115 = arith.addi %add3A_114, %mul3A_113 : i32
      %add3A_116 = arith.constant 416 : i32
      %add3A_117 = arith.addi %add3A_116, %add3A_115 : i32
      %mul3A_118 = arith.constant 32 : i32
      %mul3A_119 = arith.muli %add3A_117, %mul3A_118 : i32
      %dma_wait3A_120 = arith.constant 0 : i32
      %dma_wait3A_121 = arith.constant 0 : i32
      %dma_wait3A_122 = tpu.memref_slice %arg7[%add3A_115, %dma_wait3A_120, %dma_wait3A_121] : memref<32x26x32xf32, #tpu.memory_space<vmem>> -> memref<1x26x32xf32, #tpu.memory_space<vmem>>
      %dma_wait3A_123 = tpu.memref_squeeze %dma_wait3A_122 : memref<1x26x32xf32, #tpu.memory_space<vmem>> -> memref<26x32xf32, #tpu.memory_space<vmem>>
      %dma_wait3A_124 = tpu.memref_slice %arg5[%mul3A_119] : memref<16384xi32, #tpu.memory_space<vmem>> -> memref<26xi32, #tpu.memory_space<vmem>>
      %dma_wait3A_125 = arith.constant 0 : i32
      %dma_wait3A_126 = arith.constant 0 : i32
      %dma_wait3A_127 = tpu.memref_slice %arg2[%dma_wait3A_125, %dma_wait3A_126] : memref<1000000x32xf32, #tpu.memory_space<hbm>> -> memref<1000000x32xf32, #tpu.memory_space<hbm>>
      tpu.wait_indirect_dma semaphore(%arg11 : memref<!tpu.dma_semaphore, #tpu.memory_space<semaphore_mem>>) src(%dma_wait3A_127 : memref<1000000x32xf32, #tpu.memory_space<hbm>>) dst(%dma_wait3A_123 : memref<26x32xf32, #tpu.memory_space<vmem>>)
    }
    %scan3A_45 = arith.constant 32 : i32
    %add3A_46 = arith.constant 416 : i32
    %add3A_47 = arith.addi %mul3A_2, %add3A_46 : i32
    %dma_start3A_48 = arith.constant 0 : i32
    %dma_start3A_49 = arith.constant 0 : i32
    %dma_start3A_50 = tpu.memref_slice %arg4[%add3A_47, %dma_start3A_48, %dma_start3A_49] : memref<16384x26x32xf32, #tpu.memory_space<hbm>> -> memref<32x26x32xf32, #tpu.memory_space<hbm>>
    %dma_start3A_51 = arith.constant 0 : i32
    %dma_start3A_52 = arith.constant 0 : i32
    %dma_start3A_53 = tpu.memref_slice %arg4[%add3A_47, %dma_start3A_51, %dma_start3A_52] : memref<16384x26x32xf32, #tpu.memory_space<hbm>> -> memref<32x26x32xf32, #tpu.memory_space<hbm>>
    tpu.enqueue_dma source(%arg7 : memref<32x26x32xf32, #tpu.memory_space<vmem>>) target(%dma_start3A_53 : memref<32x26x32xf32, #tpu.memory_space<hbm>>) target_semaphore(%arg15 : memref<!tpu.dma_semaphore, #tpu.memory_space<semaphore_mem>>)
    %scan3A_54 = arith.constant 0 : i32
    %scan3A_55 = arith.constant 32 : i32
    %scan3A_56 = arith.addi %scan3A_54, %scan3A_55 : i32
    %scan3A_57 = arith.constant 1 : i32
    scf.for %scan3A_111 = %scan3A_54 to %scan3A_56 step %scan3A_57  : i32 {
      %mul3A_112 = arith.constant 1 : i32
      %mul3A_113 = arith.muli %scan3A_111, %mul3A_112 : i32
      %add3A_114 = arith.constant 0 : i32
      %add3A_115 = arith.addi %add3A_114, %mul3A_113 : i32
      %add3A_116 = arith.constant 448 : i32
      %add3A_117 = arith.addi %add3A_116, %add3A_115 : i32
      %mul3A_118 = arith.constant 32 : i32
      %mul3A_119 = arith.muli %add3A_117, %mul3A_118 : i32
      %dma_wait3A_120 = arith.constant 0 : i32
      %dma_wait3A_121 = arith.constant 0 : i32
      %dma_wait3A_122 = tpu.memref_slice %arg8[%add3A_115, %dma_wait3A_120, %dma_wait3A_121] : memref<32x26x32xf32, #tpu.memory_space<vmem>> -> memref<1x26x32xf32, #tpu.memory_space<vmem>>
      %dma_wait3A_123 = tpu.memref_squeeze %dma_wait3A_122 : memref<1x26x32xf32, #tpu.memory_space<vmem>> -> memref<26x32xf32, #tpu.memory_space<vmem>>
      %dma_wait3A_124 = tpu.memref_slice %arg5[%mul3A_119] : memref<16384xi32, #tpu.memory_space<vmem>> -> memref<26xi32, #tpu.memory_space<vmem>>
      %dma_wait3A_125 = arith.constant 0 : i32
      %dma_wait3A_126 = arith.constant 0 : i32
      %dma_wait3A_127 = tpu.memref_slice %arg2[%dma_wait3A_125, %dma_wait3A_126] : memref<1000000x32xf32, #tpu.memory_space<hbm>> -> memref<1000000x32xf32, #tpu.memory_space<hbm>>
      tpu.wait_indirect_dma semaphore(%arg12 : memref<!tpu.dma_semaphore, #tpu.memory_space<semaphore_mem>>) src(%dma_wait3A_127 : memref<1000000x32xf32, #tpu.memory_space<hbm>>) dst(%dma_wait3A_123 : memref<26x32xf32, #tpu.memory_space<vmem>>)
    }
    %scan3A_58 = arith.constant 32 : i32
    %add3A_59 = arith.constant 448 : i32
    %add3A_60 = arith.addi %mul3A_2, %add3A_59 : i32
    %dma_start3A_61 = arith.constant 0 : i32
    %dma_start3A_62 = arith.constant 0 : i32
    %dma_start3A_63 = tpu.memref_slice %arg4[%add3A_60, %dma_start3A_61, %dma_start3A_62] : memref<16384x26x32xf32, #tpu.memory_space<hbm>> -> memref<32x26x32xf32, #tpu.memory_space<hbm>>
    %dma_start3A_64 = arith.constant 0 : i32
    %dma_start3A_65 = arith.constant 0 : i32
    %dma_start3A_66 = tpu.memref_slice %arg4[%add3A_60, %dma_start3A_64, %dma_start3A_65] : memref<16384x26x32xf32, #tpu.memory_space<hbm>> -> memref<32x26x32xf32, #tpu.memory_space<hbm>>
    tpu.enqueue_dma source(%arg8 : memref<32x26x32xf32, #tpu.memory_space<vmem>>) target(%dma_start3A_66 : memref<32x26x32xf32, #tpu.memory_space<hbm>>) target_semaphore(%arg16 : memref<!tpu.dma_semaphore, #tpu.memory_space<semaphore_mem>>)
    %scan3A_67 = arith.constant 0 : i32
    %scan3A_68 = arith.constant 32 : i32
    %scan3A_69 = arith.addi %scan3A_67, %scan3A_68 : i32
    %scan3A_70 = arith.constant 1 : i32
    scf.for %scan3A_111 = %scan3A_67 to %scan3A_69 step %scan3A_70  : i32 {
      %mul3A_112 = arith.constant 1 : i32
      %mul3A_113 = arith.muli %scan3A_111, %mul3A_112 : i32
      %add3A_114 = arith.constant 0 : i32
      %add3A_115 = arith.addi %add3A_114, %mul3A_113 : i32
      %add3A_116 = arith.constant 480 : i32
      %add3A_117 = arith.addi %add3A_116, %add3A_115 : i32
      %mul3A_118 = arith.constant 32 : i32
      %mul3A_119 = arith.muli %add3A_117, %mul3A_118 : i32
      %dma_wait3A_120 = arith.constant 0 : i32
      %dma_wait3A_121 = arith.constant 0 : i32
      %dma_wait3A_122 = tpu.memref_slice %arg9[%add3A_115, %dma_wait3A_120, %dma_wait3A_121] : memref<32x26x32xf32, #tpu.memory_space<vmem>> -> memref<1x26x32xf32, #tpu.memory_space<vmem>>
      %dma_wait3A_123 = tpu.memref_squeeze %dma_wait3A_122 : memref<1x26x32xf32, #tpu.memory_space<vmem>> -> memref<26x32xf32, #tpu.memory_space<vmem>>
      %dma_wait3A_124 = tpu.memref_slice %arg5[%mul3A_119] : memref<16384xi32, #tpu.memory_space<vmem>> -> memref<26xi32, #tpu.memory_space<vmem>>
      %dma_wait3A_125 = arith.constant 0 : i32
      %dma_wait3A_126 = arith.constant 0 : i32
      %dma_wait3A_127 = tpu.memref_slice %arg2[%dma_wait3A_125, %dma_wait3A_126] : memref<1000000x32xf32, #tpu.memory_space<hbm>> -> memref<1000000x32xf32, #tpu.memory_space<hbm>>
      tpu.wait_indirect_dma semaphore(%arg13 : memref<!tpu.dma_semaphore, #tpu.memory_space<semaphore_mem>>) src(%dma_wait3A_127 : memref<1000000x32xf32, #tpu.memory_space<hbm>>) dst(%dma_wait3A_123 : memref<26x32xf32, #tpu.memory_space<vmem>>)
    }
    %scan3A_71 = arith.constant 32 : i32
    %add3A_72 = arith.constant 480 : i32
    %add3A_73 = arith.addi %mul3A_2, %add3A_72 : i32
    %dma_start3A_74 = arith.constant 0 : i32
    %dma_start3A_75 = arith.constant 0 : i32
    %dma_start3A_76 = tpu.memref_slice %arg4[%add3A_73, %dma_start3A_74, %dma_start3A_75] : memref<16384x26x32xf32, #tpu.memory_space<hbm>> -> memref<32x26x32xf32, #tpu.memory_space<hbm>>
    %dma_start3A_77 = arith.constant 0 : i32
    %dma_start3A_78 = arith.constant 0 : i32
    %dma_start3A_79 = tpu.memref_slice %arg4[%add3A_73, %dma_start3A_77, %dma_start3A_78] : memref<16384x26x32xf32, #tpu.memory_space<hbm>> -> memref<32x26x32xf32, #tpu.memory_space<hbm>>
    tpu.enqueue_dma source(%arg9 : memref<32x26x32xf32, #tpu.memory_space<vmem>>) target(%dma_start3A_79 : memref<32x26x32xf32, #tpu.memory_space<hbm>>) target_semaphore(%arg17 : memref<!tpu.dma_semaphore, #tpu.memory_space<semaphore_mem>>)
    %add3A_80 = arith.constant 384 : i32
    %add3A_81 = arith.addi %mul3A_2, %add3A_80 : i32
    %dma_wait3A = arith.constant 0 : i32
    %dma_wait3A_82 = arith.constant 0 : i32
    %dma_wait3A_83 = tpu.memref_slice %arg4[%add3A_81, %dma_wait3A, %dma_wait3A_82] : memref<16384x26x32xf32, #tpu.memory_space<hbm>> -> memref<32x26x32xf32, #tpu.memory_space<hbm>>
    %dma_wait3A_84 = arith.constant 0 : i32
    %dma_wait3A_85 = arith.constant 0 : i32
    %dma_wait3A_86 = tpu.memref_slice %arg4[%add3A_81, %dma_wait3A_84, %dma_wait3A_85] : memref<16384x26x32xf32, #tpu.memory_space<hbm>> -> memref<32x26x32xf32, #tpu.memory_space<hbm>>
    tpu.wait_dma2 semaphore(%arg14 : memref<!tpu.dma_semaphore, #tpu.memory_space<semaphore_mem>>) src(%arg6 : memref<32x26x32xf32, #tpu.memory_space<vmem>>) dst(%dma_wait3A_86 : memref<32x26x32xf32, #tpu.memory_space<hbm>>)
    %add3A_87 = arith.constant 416 : i32
    %add3A_88 = arith.addi %mul3A_2, %add3A_87 : i32
    %dma_wait3A_89 = arith.constant 0 : i32
    %dma_wait3A_90 = arith.constant 0 : i32
    %dma_wait3A_91 = tpu.memref_slice %arg4[%add3A_88, %dma_wait3A_89, %dma_wait3A_90] : memref<16384x26x32xf32, #tpu.memory_space<hbm>> -> memref<32x26x32xf32, #tpu.memory_space<hbm>>
    %dma_wait3A_92 = arith.constant 0 : i32
    %dma_wait3A_93 = arith.constant 0 : i32
    %dma_wait3A_94 = tpu.memref_slice %arg4[%add3A_88, %dma_wait3A_92, %dma_wait3A_93] : memref<16384x26x32xf32, #tpu.memory_space<hbm>> -> memref<32x26x32xf32, #tpu.memory_space<hbm>>
    tpu.wait_dma2 semaphore(%arg15 : memref<!tpu.dma_semaphore, #tpu.memory_space<semaphore_mem>>) src(%arg7 : memref<32x26x32xf32, #tpu.memory_space<vmem>>) dst(%dma_wait3A_94 : memref<32x26x32xf32, #tpu.memory_space<hbm>>)
    %add3A_95 = arith.constant 448 : i32
    %add3A_96 = arith.addi %mul3A_2, %add3A_95 : i32
    %dma_wait3A_97 = arith.constant 0 : i32
    %dma_wait3A_98 = arith.constant 0 : i32
    %dma_wait3A_99 = tpu.memref_slice %arg4[%add3A_96, %dma_wait3A_97, %dma_wait3A_98] : memref<16384x26x32xf32, #tpu.memory_space<hbm>> -> memref<32x26x32xf32, #tpu.memory_space<hbm>>
    %dma_wait3A_100 = arith.constant 0 : i32
    %dma_wait3A_101 = arith.constant 0 : i32
    %dma_wait3A_102 = tpu.memref_slice %arg4[%add3A_96, %dma_wait3A_100, %dma_wait3A_101] : memref<16384x26x32xf32, #tpu.memory_space<hbm>> -> memref<32x26x32xf32, #tpu.memory_space<hbm>>
    tpu.wait_dma2 semaphore(%arg16 : memref<!tpu.dma_semaphore, #tpu.memory_space<semaphore_mem>>) src(%arg8 : memref<32x26x32xf32, #tpu.memory_space<vmem>>) dst(%dma_wait3A_102 : memref<32x26x32xf32, #tpu.memory_space<hbm>>)
    %add3A_103 = arith.constant 480 : i32
    %add3A_104 = arith.addi %mul3A_2, %add3A_103 : i32
    %dma_wait3A_105 = arith.constant 0 : i32
    %dma_wait3A_106 = arith.constant 0 : i32
    %dma_wait3A_107 = tpu.memref_slice %arg4[%add3A_104, %dma_wait3A_105, %dma_wait3A_106] : memref<16384x26x32xf32, #tpu.memory_space<hbm>> -> memref<32x26x32xf32, #tpu.memory_space<hbm>>
    %dma_wait3A_108 = arith.constant 0 : i32
    %dma_wait3A_109 = arith.constant 0 : i32
    %dma_wait3A_110 = tpu.memref_slice %arg4[%add3A_104, %dma_wait3A_108, %dma_wait3A_109] : memref<16384x26x32xf32, #tpu.memory_space<hbm>> -> memref<32x26x32xf32, #tpu.memory_space<hbm>>
    tpu.wait_dma2 semaphore(%arg17 : memref<!tpu.dma_semaphore, #tpu.memory_space<semaphore_mem>>) src(%arg9 : memref<32x26x32xf32, #tpu.memory_space<vmem>>) dst(%dma_wait3A_110 : memref<32x26x32xf32, #tpu.memory_space<hbm>>)
    return
  }
}

</mosaic_0001>

<sc_bundles>
// kernel: kernel.3.cloned.1.call-start
scs
__scs_entry_jumppad:
0x0: {  	(pc) =	sbr.rel $0x88, $3  }
0x1: {  	(tag) =	ssettag $0x0;
	lr =	simm.s32 $0x1  }
0x2: {  	[smem:$0x3F9F] =	sst lr;
	_ =	strace $0xD0000000  }
0x3: {  	_ = 	snop  }
0x4: {  	_ = 	snop  }
0x5: {  	_ = 	snop  }
0x6: {  	_ = 	snop  }
0x7: {  	_ = 	snop  }
__scs_overlays_trampoline_lowered:
0x8: {  	[smem:$0x3FAE] =	sst s0  }
0x9: {  	[smem:$0x3FAF] =	sst s1  }
0xa: {  	[smem:$0x3FB0] =	sst s2  }
0xb: {  	[smem:$0x3FB1] =	sst s3  }
0xc: {  	[smem:$0x3FB2] =	sst s4  }
0xd: {  	[smem:$0x3FB3] =	sst s5  }
0xe: {  	[smem:$0x3FB4] =	sst s6  }
0xf: {  	[smem:$0x3FB5] =	sst s7  }
0x10: {  	[smem:$0x3FB6] =	sst s8  }
0x11: {  	[smem:$0x3FB7] =	sst s9;
	s0 =	simm.s32 @!p0 $0x0  }
0x12: {  	s1 =	sld [smem:$0x3F9D];
	s0 =	simm.s32 @p0 $0x1  }
0x13: {  	[smem:$0x3FB8] =	sst s0;
	s0 =	simm.s32 @!p1 $0x0  }
0x14: {  	s2 =	sld [smem:$0x3F9C];
	s0 =	simm.s32 @p1 $0x1  }
0x15: {  	[smem:$0x3FB9] =	sst s0;
	s0 =	simm.s32 @!p2 $0x0  }
0x16: {  	s3 =	sld [smem:$0x3FDB];
	s0 =	simm.s32 @p2 $0x1  }
0x17: {  	s4 =	simm.s32 $0x1BF5;
	[smem:$0x3FBB] =	sst s0  }
0x18: {  	s0 =	sld [smem:$0x3F9E];
	_ =	swait.ge [sflag:s4], $0x0  }
0x19: {  	s7 =	sld [smem:$0x3F9F]  }
0x1a: {  	s8 =	sadd.s32 $0xFFFFE003, lr  }
0x1b: {  	s9 =	sadd.s32 $0xFFFFFEF7, lr;
	s5 =	simm.s32 $0xFFFFFFFF;
	p2 =	slt.u32 s8, $0xFFFFF086  }
0x1c: {  	p1 =	slt.u32 s9, $0xF7A;
	s5 =	simm.s32 @!p2 $0x0  }
0x1d: {  	s5 =	simm.s32 @p1 $0x1;
	p0 =	seq.s32 s7, s2  }
0x1e: {  	s7 =	smul.u32 @!p0 $0xF7A, s2;
	p2 =	seq.s32 @!p0 s5, $0x0  }
0x1f: {  	s9 =	smul.u32 $0xF7A, s1;
	s8 =	simm.s32 @!p0 $0x1BF5;
	p2 =	por !p2, p0  }
0x20: {  	[sflag:s8] =	ssyncset.s32 @!p0 $0xFFFFF086;
	s6 =	sadd.s32 @!p0 s3, s7;
	s7 =	simm.s32 @!p0 $0x108  }
0x21: {  	s3 =	sadd.s32 s3, s9;
	s6 =	sadd.s32 @!p0 $0x88, s6;
	s7 =	simm.s32 @p2 $0x1082  }
0x22: {  	[simem:s7], [sflag:s8] =	dma.local @!p0 [hbm:s6], $0xF7A  }
0x23: {  	s9 =	sor.u32 $0xD0000000, s2;
	s6 =	simm.s32 $0x108;
	_ =	swait.ge @!p0 [sflag:s8], $0x0  }
0x24: {  	s3 =	sadd.s32 $0x88, s3;
	s6 =	simm.s32 @!p1 $0x1082;
	[sflag:s4] =	ssyncset.s32 $0xFFFFF086  }
0x25: {  	[simem:s6], [sflag:s4] =	dma.local [hbm:s3], $0xF7A  }
0x26: {  	[smem:$0x3F9F] =	sst s1;
	(tag) =	ssettag s2;
	_ =	strace s9  }
0x27: {  	s1 =	sld [smem:$0x3FAF]  }
0x28: {  	s2 =	sld [smem:$0x3FB0]  }
0x29: {  	s4 =	sld [smem:$0x3FB2]  }
0x2a: {  	p0 =	seq.s32 s5, $0x0;
	s5 =	sld [smem:$0x3FB3]  }
0x2b: {  	s6 =	sld [smem:$0x3FB4]  }
0x2c: {  	s7 =	sld [smem:$0x3FB5]  }
0x2d: {  	s3 =	simm.s32 $0x108;
	s8 =	sld [smem:$0x3FB6]  }
0x2e: {  	s3 =	simm.s32 @!p0 $0x1082;
	s9 =	sld [smem:$0x3FB7]  }
0x2f: {  	lr =	sadd.s32 s0, s3;
	s0 =	sld [smem:$0x3FAE]  }
0x30: {  	s3 =	sld [smem:$0x3FB1]  }
0x31: {  	[smem:$0x3FBA] =	sst s10  }
0x32: {  	s10 =	sld [smem:$0x3FB8];
	_ =	sdelay $0x3  }
0x33: {  	p0 =	seq.s32 s10, $0x1;
	s10 =	sld [smem:$0x3FBA];
	_ =	sdelay $0x3  }
0x34: {  	[smem:$0x3FBA] =	sst s10  }
0x35: {  	s10 =	sld [smem:$0x3FB9];
	_ =	sdelay $0x3  }
0x36: {  	p1 =	seq.s32 s10, $0x1;
	s10 =	sld [smem:$0x3FBA];
	_ =	sdelay $0x3  }
0x37: {  	[smem:$0x3FBA] =	sst s10  }
0x38: {  	s10 =	sld [smem:$0x3FBB]  }
0x39: {  	_ = 	snop;
	(pc) =	sbr.ind lr, $3  }
0x3a: {  	_ = 	snop  }
0x3b: {  	_ = 	snop  }
0x3c: {  	p2 =	seq.s32 s10, $0x1;
	s10 =	sld [smem:$0x3FBA]  }
0x3d: {  	_ =	shalt  }
0x3e: {  	_ =	shalt  }
0x3f: {  	_ =	shalt  }
0x40: {  	_ =	shalt  }
0x41: {  	_ =	shalt  }
0x42: {  	_ =	shalt  }
0x43: {  	_ =	shalt  }
0x44: {  	_ =	shalt  }
0x45: {  	_ =	shalt  }
0x46: {  	_ =	shalt  }
0x47: {  	_ =	shalt  }
0x48: {  	_ =	shalt  }
0x49: {  	_ =	shalt  }
0x4a: {  	_ =	shalt  }
0x4b: {  	_ =	shalt  }
0x4c: {  	_ =	shalt  }
0x4d: {  	_ =	shalt  }
0x4e: {  	_ =	shalt  }
0x4f: {  	_ =	shalt  }
0x50: {  	_ =	shalt  }
0x51: {  	_ =	shalt  }
0x52: {  	_ =	shalt  }
0x53: {  	_ =	shalt  }
0x54: {  	_ =	shalt  }
0x55: {  	_ =	shalt  }
0x56: {  	_ =	shalt  }
0x57: {  	_ =	shalt  }
0x58: {  	_ =	shalt  }
0x59: {  	_ =	shalt  }
0x5a: {  	_ =	shalt  }
0x5b: {  	_ =	shalt  }
0x5c: {  	_ =	shalt  }
0x5d: {  	_ =	shalt  }
0x5e: {  	_ =	shalt  }
0x5f: {  	_ =	shalt  }
0x60: {  	_ =	shalt  }
0x61: {  	_ =	shalt  }
0x62: {  	_ =	shalt  }
0x63: {  	_ =	shalt  }
0x64: {  	_ =	shalt  }
0x65: {  	_ =	shalt  }
0x66: {  	_ =	shalt  }
0x67: {  	_ =	shalt  }
0x68: {  	_ =	shalt  }
0x69: {  	_ =	shalt  }
0x6a: {  	_ =	shalt  }
0x6b: {  	_ =	shalt  }
0x6c: {  	_ =	shalt  }
0x6d: {  	_ =	shalt  }
0x6e: {  	_ =	shalt  }
0x6f: {  	_ =	shalt  }
0x70: {  	_ =	shalt  }
0x71: {  	_ =	shalt  }
0x72: {  	_ =	shalt  }
0x73: {  	_ =	shalt  }
0x74: {  	_ =	shalt  }
0x75: {  	_ =	shalt  }
0x76: {  	_ =	shalt  }
0x77: {  	_ =	shalt  }
0x78: {  	_ =	shalt  }
0x79: {  	_ =	shalt  }
0x7a: {  	_ =	shalt  }
0x7b: {  	_ =	shalt  }
0x7c: {  	_ =	shalt  }
0x7d: {  	_ =	shalt  }
0x7e: {  	_ =	shalt  }
0x7f: {  	_ =	shalt  }
0x80: {  	_ =	shalt  }
0x81: {  	_ =	shalt  }
0x82: {  	_ =	shalt  }
0x83: {  	_ =	shalt  }
0x84: {  	_ =	shalt  }
0x85: {  	_ =	shalt  }
0x86: {  	_ =	shalt  }
0x87: {  	_ =	shalt  }
.Lfunc_end0:
.L_simem_size_0:
called_computation.1_lowered:
.L_overlay_start_0:
0x88: {  	s2 =	sld [smem:$0x3FD9]  }
0x89: {  	s3 =	sld [smem:$0x3FFE];
	_ =	sdelay $0x1  }
0x8a: {  	s1 =	srdreg.scid  }
0x8b: {  	s0 =	sand.u32 $0x1, s1  }
0x8c: {  	s17 =	sshll.u32 s0, $0xA;
	s2 =	sadd.s32 s3, s2  }
0x8d: {  	s2 =	sadd.s32 s2, s17  }
0x8e: {  	[smem:$0x3FC6] =	sst s2  }
0x8f: {  	_ = 	snop  }
0x90: {  	s2 =	sld [smem:$0x3FD0];
	(tm) =	ssettm $0x1  }
0x91: {  	s18 =	sld [smem:$0x3FFB];
	_ =	sdelay $0x3  }
0x92: {  	_ =	strace s18  }
0x93: {  	s3 =	sld [smem:$0x3FFC];
	_ =	sdelay $0x3  }
0x94: {  	_ =	strace s3  }
0x95: {  	s3 =	sld [smem:$0x3FFD];
	_ =	sdelay $0x3  }
0x96: {  	_ =	strace s3  }
0x97: {  	_ =	strace $0x8FFFFFFF  }
0x98: {  	s19 =	sld [smem:$0x3FDB];
	_ =	sdelay $0x1  }
0x99: {  	s4 =	simm.s32 $_scs_section_size  }
0x9a: {  	s5 =	simm.s32 $_size__tile_overlayer_lowered;
	s6 =	simm.s32 $_tile_overlayer_lowered  }
0x9b: {  	s22 =	simm.s32 $0x1BFF;
	s21 =	sshll.u32 s6, $0x1;
	s3 =	sadd.s32 s4, s19  }
0x9c: {  	s7 =	simm.s32 $0x0;
	s20 =	sshll.u32 s5, $0x1;
	s5 =	sadd.s32 s21, s3  }
0x9d: {  	[timem:s7], [sflag:s22] =	dma.local [hbm:s5], s20  }
0x9e: {  	_ =	swait.ge [sflag:s22], s20  }
0x9f: {  	s4 =	ssub.s32 $0x0, s20;
	[sflag:s22] =	ssyncset.done $0x0  }
0xa0: {  	[sflag:s22] =	ssyncadd.s32 s4;
	_ =	sdelay $0x1  }
0xa1: {  	s23 =	simm.s32 $0x1B8B  }
0xa2: {  	_ =	swait.ge [sflag:s23], $0x1  }
0xa3: {  	[sflag:s23] =	ssyncset.done $0x0  }
0xa4: {  	s25 =	simm.s32 $0x1B8E;
	s24 =	sld [smem:$0x3FFE];
	[sflag:s23] =	ssyncadd.s32 $0xFFFFFFFF  }
0xa5: {  	s26 =	simm.s32 $execute0_lowered;
	[smem:$0x3FD2] =	sst s25  }
0xa6: {  	s5 =	sshll.u32 s26, $0x1;
	_ =	strace $0x80000046;
	[dreg:$0x1] =	wrdreg $0xFFFFFFFF  }
0xa7: {  	s28 =	simm.s32 $_size_execute0_lowered;
	s3 =	sadd.s32 s3, s5;
	[dreg:$0x0] =	wrdreg $0x0  }
0xa8: {  	s5 =	sshll.u32 s28, $0x1;
	[dreg:$0x2] =	wrdreg s3  }
0xa9: {  	[dreg:$0x3] =	wrdreg s5  }
0xaa: {  	[dreg:$0x4] =	wrdreg $0xC0  }
0xab: {  	_ =	task [dreg:s7], $0x5FFFF  }
0xac: {  	[dreg:$0x1] =	wrdreg $0xFFFFFFFF  }
0xad: {  	[dreg:$0x0] =	wrdreg $0x60  }
0xae: {  	[dreg:$0x2] =	wrdreg s24  }
0xaf: {  	[dreg:$0x3] =	wrdreg s2  }
0xb0: {  	[dreg:$0x4] =	wrdreg $0x9  }
0xb1: {  	_ =	task.clear_ibuf [dreg:s7], $0x5FFFF;
	_ =	strace $0x90000046  }
0xb2: {  	s29 =	simm.s32 $0x9;
	_ =	strace $0x80000048  }
0xb3: {  	_ =	swait.ge [sflag:s29], $0x1  }
0xb4: {  	[sflag:s29] =	ssyncadd.s32 $0xFFFFFFFF  }
0xb5: {  	_ =	strace $0x90000048  }
0xb6: {  	_ =	sfence  }
0xb7: {  	s30 =	sld [smem:$0x0];
	_ =	sdelay $0x2  }
0xb8: {  	s31 =	sshll.u32 s1, $0xD;
	s1 =	sshrl.u32 s1, $0x2  }
0xb9: {  	s3 =	sand.u32 $0x4000, s31;
	s1 =	sadd.s32 s1, s30  }
0xba: {  	s0 =	sor.u32 s3, s0;
	s1 =	sshll.u32 s1, $0x11  }
0xbb: {  	s0 =	sor.u32 s1, s0  }
0xbc: {  	s0 =	sadd.s32 $0x8F2B, s0  }
0xbd: {  	[sflag:s0] =	ssyncadd.remote.s32 $0x1  }
0xbe: {  	_ =	sfence.sel $0xFFFF  }
0xbf: {  	[dreg:$0x0] =	wrdreg $0xFFFFFFFF;
	(pc) =	sbr.abs _section_cstart, $3  }
0xc0: {  	[dreg:$0x1] =	wrdreg $0xFFFFFFFF  }
0xc1: {  	_ =	task.clear_ibuf [dreg:s7], $0x2FFFF;
	_ =	strace $0x9FFFFFFF  }
0xc2: {  	(tm) =	ssettm $0x7FFFFFFF  }
0xc3: {  	_ =	shalt  }
tec
execute0_lowered:
.L_overlay_start_1:
0x0: {  	(tag) =	ssettag $0x1  }
0x1: {  	s0 =	rddreg [dreg:$0x0];
	s1 =	srdreg.scid  }
0x2: {  	s3 =	stileid.u32;
	s2 =	rddreg [dreg:$0x1]  }
0x3: {  	s12 =	simm.s32 $0x9;
	s13 =	simm.s32 $0x1A;
	s24 =	simm.s32 $0xA800  }
0x4: {  	s19 =	simm.s32 $0x11000;
	s18 =	simm.s32 $0x17800;
	s22 =	simm.s32 $0x1  }
0x5: {  	s23 =	simm.s32 $0x2;
	s25 =	simm.s32 $0x3;
	s28 =	simm.s32 $0x5  }
0x6: {  	s29 =	simm.s32 $0x6;
	s30 =	simm.s32 $0x7;
	s31 =	simm.s32 $0x8  }
0x7: {  	s1 =	sand.u32 $0x1, s1;
	s4 =	sshll.u32 s3, $0x1;
	s3 =	simm.s32 $0x0  }
0x8: {  	s5 =	sor.u32 s1, s4;
	[smem:$0x7FF] =	sst s3;
	s4 =	sadd.s32 $0xF42E00, s0  }
0x9: {  	s1 =	ssub.s32 $0x2, s1;
	s6 =	smul.u32 $0x68000, s5;
	_ =	strace $0x80000047  }
0xa: {  	s7 =	sshll.u32 s5, $0xB;
	s8 =	sshrl.u32 s1, $0x1;
	s5 =	sshll.u32 s5, $0x9  }
0xb: {  	s0 =	sadd.s32 s7, s0;
	s1 =	ssub.s32 s1, s8;
	s6 =	sshrl.u32 s6, $0x3  }
0xc: {  	s0 =	sadd.s32 $0xA00, s0;
	s11 =	smax.u32 s1, $0x1;
	s6 =	sadd.s32 s2, s6  }
0xd: {  	s1 =	simm.s32 $0x0;
	[dreg:$0x3] =	wrdreg s0;
	s26 =	sadd.s32 $0x9C00, s6  }
0xe: {  	s8 =	sadd.s32 $0xA900, s6;
	s9 =	sadd.s32 $0xB600, s6;
	s10 =	sadd.s32 $0xC300, s6  }
0xf: {  	s6 =	simm.s32 $0x4000;
	[dreg:$0x4] =	wrdreg s26;
	s26 =	simm.s32 $0x4  }
.LBB2_1:
0x10: {  	s0 =	rddreg [dreg:$0x3]  }
0x11: {  	[tilespmem:s3], [sflag:$0x9] =	stream.linear.gather [hbm4b:s0+s3], $0x4000, $0x38;
	[tilespmem:$0x1E000] =	vst v63  }
0x12: {  	_ =	swait.ge [sflag:s12], $0x4000  }
0x13: {  	[sflag:s12] =	ssyncset.done $0x0  }
0x14: {  	[sflag:s12] =	ssyncadd.s32 $0xFFFFC000  }
0x15: {  	[tilespmem:s6], [sflag:$0x1] =	stream.indirect.gather [hbm4b:s4+s13], $0x20, s3, s13, $0xb8;
	[tilespmem:$0x1E000] =	vst v63  }
0x16: {  	s14 =	simm.s32 $0x20;
	s15 =	simm.s32 $0x4340  }
0x17: {  	[tilespmem:s15], [sflag:$0x1] =	stream.indirect.gather [hbm4b:s4+s13], $0x20, s14, s13, $0xb8;
	[tilespmem:$0x1E000] =	vst v63  }
0x18: {  	s16 =	simm.s32 $0x40;
	s17 =	simm.s32 $0x4680  }
0x19: {  	[tilespmem:s17], [sflag:$0x1] =	stream.indirect.gather [hbm4b:s4+s13], $0x20, s16, s13, $0xb8;
	[tilespmem:$0x1E000] =	vst v63  }
0x1a: {  	s20 =	simm.s32 $0x60;
	s21 =	simm.s32 $0x49C0  }
0x1b: {  	[tilespmem:s21], [sflag:$0x1] =	stream.indirect.gather [hbm4b:s4+s13], $0x20, s20, s13, $0xb8;
	[tilespmem:$0x1E000] =	vst v63  }
0x1c: {  	s7 =	simm.s32 $0x4D00;
	s6 =	simm.s32 $0x80  }
0x1d: {  	[tilespmem:s7], [sflag:$0x1] =	stream.indirect.gather [hbm4b:s4+s13], $0x20, s6, s13, $0xb8;
	[tilespmem:$0x1E000] =	vst v63  }
0x1e: {  	s14 =	simm.s32 $0xA0;
	s15 =	simm.s32 $0x5040  }
0x1f: {  	[tilespmem:s15], [sflag:$0x1] =	stream.indirect.gather [hbm4b:s4+s13], $0x20, s14, s13, $0xb8;
	[tilespmem:$0x1E000] =	vst v63  }
0x20: {  	s16 =	simm.s32 $0xC0;
	s17 =	simm.s32 $0x5380  }
0x21: {  	[tilespmem:s17], [sflag:$0x1] =	stream.indirect.gather [hbm4b:s4+s13], $0x20, s16, s13, $0xb8;
	[tilespmem:$0x1E000] =	vst v63  }
0x22: {  	s20 =	simm.s32 $0xE0;
	s21 =	simm.s32 $0x56C0  }
0x23: {  	[tilespmem:s21], [sflag:$0x1] =	stream.indirect.gather [hbm4b:s4+s13], $0x20, s20, s13, $0xb8;
	[tilespmem:$0x1E000] =	vst v63  }
0x24: {  	s6 =	simm.s32 $0x100;
	s7 =	simm.s32 $0x5A00  }
0x25: {  	[tilespmem:s7], [sflag:$0x1] =	stream.indirect.gather [hbm4b:s4+s13], $0x20, s6, s13, $0xb8;
	[tilespmem:$0x1E000] =	vst v63  }
0x26: {  	s14 =	simm.s32 $0x120;
	s15 =	simm.s32 $0x5D40  }
0x27: {  	[tilespmem:s15], [sflag:$0x1] =	stream.indirect.gather [hbm4b:s4+s13], $0x20, s14, s13, $0xb8;
	[tilespmem:$0x1E000] =	vst v63  }
0x28: {  	s16 =	simm.s32 $0x140;
	s17 =	simm.s32 $0x6080  }
0x29: {  	[tilespmem:s17], [sflag:$0x1] =	stream.indirect.gather [hbm4b:s4+s13], $0x20, s16, s13, $0xb8;
	[tilespmem:$0x1E000] =	vst v63  }
0x2a: {  	s20 =	simm.s32 $0x160;
	s21 =	simm.s32 $0x63C0  }
0x2b: {  	[tilespmem:s21], [sflag:$0x1] =	stream.indirect.gather [hbm4b:s4+s13], $0x20, s20, s13, $0xb8;
	[tilespmem:$0x1E000] =	vst v63  }
0x2c: {  	s6 =	simm.s32 $0x180;
	s7 =	simm.s32 $0x6700  }
0x2d: {  	[tilespmem:s7], [sflag:$0x1] =	stream.indirect.gather [hbm4b:s4+s13], $0x20, s6, s13, $0xb8;
	[tilespmem:$0x1E000] =	vst v63  }
0x2e: {  	s14 =	simm.s32 $0x1A0;
	s15 =	simm.s32 $0x6A40  }
0x2f: {  	[tilespmem:s15], [sflag:$0x1] =	stream.indirect.gather [hbm4b:s4+s13], $0x20, s14, s13, $0xb8;
	[tilespmem:$0x1E000] =	vst v63  }
0x30: {  	s16 =	simm.s32 $0x1C0;
	s17 =	simm.s32 $0x6D80  }
0x31: {  	[tilespmem:s17], [sflag:$0x1] =	stream.indirect.gather [hbm4b:s4+s13], $0x20, s16, s13, $0xb8;
	[tilespmem:$0x1E000] =	vst v63  }
0x32: {  	s20 =	simm.s32 $0x1E0;
	s21 =	simm.s32 $0x70C0  }
0x33: {  	[tilespmem:s21], [sflag:$0x1] =	stream.indirect.gather [hbm4b:s4+s13], $0x20, s20, s13, $0xb8;
	[tilespmem:$0x1E000] =	vst v63  }
0x34: {  	s6 =	simm.s32 $0x200;
	s7 =	simm.s32 $0x7400  }
0x35: {  	[tilespmem:s7], [sflag:$0x1] =	stream.indirect.gather [hbm4b:s4+s13], $0x20, s6, s13, $0xb8;
	[tilespmem:$0x1E000] =	vst v63  }
0x36: {  	s14 =	simm.s32 $0x220;
	s15 =	simm.s32 $0x7740  }
0x37: {  	[tilespmem:s15], [sflag:$0x1] =	stream.indirect.gather [hbm4b:s4+s13], $0x20, s14, s13, $0xb8;
	[tilespmem:$0x1E000] =	vst v63  }
0x38: {  	s16 =	simm.s32 $0x240;
	s17 =	simm.s32 $0x7A80  }
0x39: {  	[tilespmem:s17], [sflag:$0x1] =	stream.indirect.gather [hbm4b:s4+s13], $0x20, s16, s13, $0xb8;
	[tilespmem:$0x1E000] =	vst v63  }
0x3a: {  	s20 =	simm.s32 $0x260;
	s21 =	simm.s32 $0x7DC0  }
0x3b: {  	[tilespmem:s21], [sflag:$0x1] =	stream.indirect.gather [hbm4b:s4+s13], $0x20, s20, s13, $0xb8;
	[tilespmem:$0x1E000] =	vst v63  }
0x3c: {  	s6 =	simm.s32 $0x280;
	s7 =	simm.s32 $0x8100  }
0x3d: {  	[tilespmem:s7], [sflag:$0x1] =	stream.indirect.gather [hbm4b:s4+s13], $0x20, s6, s13, $0xb8;
	[tilespmem:$0x1E000] =	vst v63  }
0x3e: {  	s14 =	simm.s32 $0x2A0;
	s15 =	simm.s32 $0x8440  }
0x3f: {  	[tilespmem:s15], [sflag:$0x1] =	stream.indirect.gather [hbm4b:s4+s13], $0x20, s14, s13, $0xb8;
	[tilespmem:$0x1E000] =	vst v63  }
0x40: {  	s16 =	simm.s32 $0x2C0;
	s17 =	simm.s32 $0x8780  }
0x41: {  	[tilespmem:s17], [sflag:$0x1] =	stream.indirect.gather [hbm4b:s4+s13], $0x20, s16, s13, $0xb8;
	[tilespmem:$0x1E000] =	vst v63  }
0x42: {  	s20 =	simm.s32 $0x2E0;
	s21 =	simm.s32 $0x8AC0  }
0x43: {  	[tilespmem:s21], [sflag:$0x1] =	stream.indirect.gather [hbm4b:s4+s13], $0x20, s20, s13, $0xb8;
	[tilespmem:$0x1E000] =	vst v63  }
0x44: {  	s6 =	simm.s32 $0x300;
	s7 =	simm.s32 $0x8E00  }
0x45: {  	[tilespmem:s7], [sflag:$0x1] =	stream.indirect.gather [hbm4b:s4+s13], $0x20, s6, s13, $0xb8;
	[tilespmem:$0x1E000] =	vst v63  }
0x46: {  	s14 =	simm.s32 $0x320;
	s15 =	simm.s32 $0x9140  }
0x47: {  	[tilespmem:s15], [sflag:$0x1] =	stream.indirect.gather [hbm4b:s4+s13], $0x20, s14, s13, $0xb8;
	[tilespmem:$0x1E000] =	vst v63  }
0x48: {  	s16 =	simm.s32 $0x340;
	s17 =	simm.s32 $0x9480  }
0x49: {  	[tilespmem:s17], [sflag:$0x1] =	stream.indirect.gather [hbm4b:s4+s13], $0x20, s16, s13, $0xb8;
	[tilespmem:$0x1E000] =	vst v63  }
0x4a: {  	s20 =	simm.s32 $0x360;
	s21 =	simm.s32 $0x97C0  }
0x4b: {  	[tilespmem:s21], [sflag:$0x1] =	stream.indirect.gather [hbm4b:s4+s13], $0x20, s20, s13, $0xb8;
	[tilespmem:$0x1E000] =	vst v63  }
0x4c: {  	s6 =	simm.s32 $0x380;
	s7 =	simm.s32 $0x9B00  }
0x4d: {  	[tilespmem:s7], [sflag:$0x1] =	stream.indirect.gather [hbm4b:s4+s13], $0x20, s6, s13, $0xb8;
	[tilespmem:$0x1E000] =	vst v63  }
0x4e: {  	s14 =	simm.s32 $0x3A0;
	s15 =	simm.s32 $0x9E40  }
0x4f: {  	[tilespmem:s15], [sflag:$0x1] =	stream.indirect.gather [hbm4b:s4+s13], $0x20, s14, s13, $0xb8;
	[tilespmem:$0x1E000] =	vst v63  }
0x50: {  	s16 =	simm.s32 $0x3C0;
	s17 =	simm.s32 $0xA180  }
0x51: {  	[tilespmem:s17], [sflag:$0x1] =	stream.indirect.gather [hbm4b:s4+s13], $0x20, s16, s13, $0xb8;
	[tilespmem:$0x1E000] =	vst v63  }
0x52: {  	s20 =	simm.s32 $0x3E0;
	s21 =	simm.s32 $0xA4C0  }
0x53: {  	[tilespmem:s21], [sflag:$0x1] =	stream.indirect.gather [hbm4b:s4+s13], $0x20, s20, s13, $0xb8;
	[tilespmem:$0x1E000] =	vst v63  }
0x54: {  	s7 =	simm.s32 $0x400  }
0x55: {  	[tilespmem:s24], [sflag:$0x2] =	stream.indirect.gather [hbm4b:s4+s13], $0x20, s7, s13, $0xb8;
	[tilespmem:$0x1E000] =	vst v63  }
0x56: {  	s14 =	simm.s32 $0x420;
	s15 =	simm.s32 $0xAB40  }
0x57: {  	[tilespmem:s15], [sflag:$0x2] =	stream.indirect.gather [hbm4b:s4+s13], $0x20, s14, s13, $0xb8;
	[tilespmem:$0x1E000] =	vst v63  }
0x58: {  	s16 =	simm.s32 $0x440;
	s17 =	simm.s32 $0xAE80  }
0x59: {  	[tilespmem:s17], [sflag:$0x2] =	stream.indirect.gather [hbm4b:s4+s13], $0x20, s16, s13, $0xb8;
	[tilespmem:$0x1E000] =	vst v63  }
0x5a: {  	s20 =	simm.s32 $0x460;
	s21 =	simm.s32 $0xB1C0  }
0x5b: {  	[tilespmem:s21], [sflag:$0x2] =	stream.indirect.gather [hbm4b:s4+s13], $0x20, s20, s13, $0xb8;
	[tilespmem:$0x1E000] =	vst v63  }
0x5c: {  	s6 =	simm.s32 $0x480;
	s7 =	simm.s32 $0xB500  }
0x5d: {  	[tilespmem:s7], [sflag:$0x2] =	stream.indirect.gather [hbm4b:s4+s13], $0x20, s6, s13, $0xb8;
	[tilespmem:$0x1E000] =	vst v63  }
0x5e: {  	s14 =	simm.s32 $0x4A0;
	s15 =	simm.s32 $0xB840  }
0x5f: {  	[tilespmem:s15], [sflag:$0x2] =	stream.indirect.gather [hbm4b:s4+s13], $0x20, s14, s13, $0xb8;
	[tilespmem:$0x1E000] =	vst v63  }
0x60: {  	s16 =	simm.s32 $0x4C0;
	s17 =	simm.s32 $0xBB80  }
0x61: {  	[tilespmem:s17], [sflag:$0x2] =	stream.indirect.gather [hbm4b:s4+s13], $0x20, s16, s13, $0xb8;
	[tilespmem:$0x1E000] =	vst v63  }
0x62: {  	s20 =	simm.s32 $0x4E0;
	s21 =	simm.s32 $0xBEC0  }
0x63: {  	[tilespmem:s21], [sflag:$0x2] =	stream.indirect.gather [hbm4b:s4+s13], $0x20, s20, s13, $0xb8;
	[tilespmem:$0x1E000] =	vst v63  }
0x64: {  	s6 =	simm.s32 $0x500;
	s7 =	simm.s32 $0xC200  }
0x65: {  	[tilespmem:s7], [sflag:$0x2] =	stream.indirect.gather [hbm4b:s4+s13], $0x20, s6, s13, $0xb8;
	[tilespmem:$0x1E000] =	vst v63  }
0x66: {  	s14 =	simm.s32 $0x520;
	s15 =	simm.s32 $0xC540  }
0x67: {  	[tilespmem:s15], [sflag:$0x2] =	stream.indirect.gather [hbm4b:s4+s13], $0x20, s14, s13, $0xb8;
	[tilespmem:$0x1E000] =	vst v63  }
0x68: {  	s16 =	simm.s32 $0x540;
	s17 =	simm.s32 $0xC880  }
0x69: {  	[tilespmem:s17], [sflag:$0x2] =	stream.indirect.gather [hbm4b:s4+s13], $0x20, s16, s13, $0xb8;
	[tilespmem:$0x1E000] =	vst v63  }
0x6a: {  	s20 =	simm.s32 $0x560;
	s21 =	simm.s32 $0xCBC0  }
0x6b: {  	[tilespmem:s21], [sflag:$0x2] =	stream.indirect.gather [hbm4b:s4+s13], $0x20, s20, s13, $0xb8;
	[tilespmem:$0x1E000] =	vst v63  }
0x6c: {  	s6 =	simm.s32 $0x580;
	s7 =	simm.s32 $0xCF00  }
0x6d: {  	[tilespmem:s7], [sflag:$0x2] =	stream.indirect.gather [hbm4b:s4+s13], $0x20, s6, s13, $0xb8;
	[tilespmem:$0x1E000] =	vst v63  }
0x6e: {  	s14 =	simm.s32 $0x5A0;
	s15 =	simm.s32 $0xD240  }
0x6f: {  	[tilespmem:s15], [sflag:$0x2] =	stream.indirect.gather [hbm4b:s4+s13], $0x20, s14, s13, $0xb8;
	[tilespmem:$0x1E000] =	vst v63  }
0x70: {  	s16 =	simm.s32 $0x5C0;
	s17 =	simm.s32 $0xD580  }
0x71: {  	[tilespmem:s17], [sflag:$0x2] =	stream.indirect.gather [hbm4b:s4+s13], $0x20, s16, s13, $0xb8;
	[tilespmem:$0x1E000] =	vst v63  }
0x72: {  	s20 =	simm.s32 $0x5E0;
	s21 =	simm.s32 $0xD8C0  }
0x73: {  	[tilespmem:s21], [sflag:$0x2] =	stream.indirect.gather [hbm4b:s4+s13], $0x20, s20, s13, $0xb8;
	[tilespmem:$0x1E000] =	vst v63  }
0x74: {  	s6 =	simm.s32 $0x600;
	s7 =	simm.s32 $0xDC00  }
0x75: {  	[tilespmem:s7], [sflag:$0x2] =	stream.indirect.gather [hbm4b:s4+s13], $0x20, s6, s13, $0xb8;
	[tilespmem:$0x1E000] =	vst v63  }
0x76: {  	s14 =	simm.s32 $0x620;
	s15 =	simm.s32 $0xDF40  }
0x77: {  	[tilespmem:s15], [sflag:$0x2] =	stream.indirect.gather [hbm4b:s4+s13], $0x20, s14, s13, $0xb8;
	[tilespmem:$0x1E000] =	vst v63  }
0x78: {  	s16 =	simm.s32 $0x640;
	s17 =	simm.s32 $0xE280  }
0x79: {  	[tilespmem:s17], [sflag:$0x2] =	stream.indirect.gather [hbm4b:s4+s13], $0x20, s16, s13, $0xb8;
	[tilespmem:$0x1E000] =	vst v63  }
0x7a: {  	s20 =	simm.s32 $0x660;
	s21 =	simm.s32 $0xE5C0  }
0x7b: {  	[tilespmem:s21], [sflag:$0x2] =	stream.indirect.gather [hbm4b:s4+s13], $0x20, s20, s13, $0xb8;
	[tilespmem:$0x1E000] =	vst v63  }
0x7c: {  	s6 =	simm.s32 $0x680;
	s7 =	simm.s32 $0xE900  }
0x7d: {  	[tilespmem:s7], [sflag:$0x2] =	stream.indirect.gather [hbm4b:s4+s13], $0x20, s6, s13, $0xb8;
	[tilespmem:$0x1E000] =	vst v63  }
0x7e: {  	s14 =	simm.s32 $0x6A0;
	s15 =	simm.s32 $0xEC40  }
0x7f: {  	[tilespmem:s15], [sflag:$0x2] =	stream.indirect.gather [hbm4b:s4+s13], $0x20, s14, s13, $0xb8;
	[tilespmem:$0x1E000] =	vst v63  }
0x80: {  	s16 =	simm.s32 $0x6C0;
	s17 =	simm.s32 $0xEF80  }
0x81: {  	[tilespmem:s17], [sflag:$0x2] =	stream.indirect.gather [hbm4b:s4+s13], $0x20, s16, s13, $0xb8;
	[tilespmem:$0x1E000] =	vst v63  }
0x82: {  	s20 =	simm.s32 $0x6E0;
	s21 =	simm.s32 $0xF2C0  }
0x83: {  	[tilespmem:s21], [sflag:$0x2] =	stream.indirect.gather [hbm4b:s4+s13], $0x20, s20, s13, $0xb8;
	[tilespmem:$0x1E000] =	vst v63  }
0x84: {  	s6 =	simm.s32 $0x700;
	s7 =	simm.s32 $0xF600  }
0x85: {  	[tilespmem:s7], [sflag:$0x2] =	stream.indirect.gather [hbm4b:s4+s13], $0x20, s6, s13, $0xb8;
	[tilespmem:$0x1E000] =	vst v63  }
0x86: {  	s14 =	simm.s32 $0x720;
	s15 =	simm.s32 $0xF940  }
0x87: {  	[tilespmem:s15], [sflag:$0x2] =	stream.indirect.gather [hbm4b:s4+s13], $0x20, s14, s13, $0xb8;
	[tilespmem:$0x1E000] =	vst v63  }
0x88: {  	s16 =	simm.s32 $0x740;
	s17 =	simm.s32 $0xFC80  }
0x89: {  	[tilespmem:s17], [sflag:$0x2] =	stream.indirect.gather [hbm4b:s4+s13], $0x20, s16, s13, $0xb8;
	[tilespmem:$0x1E000] =	vst v63  }
0x8a: {  	s20 =	simm.s32 $0x760;
	s21 =	simm.s32 $0xFFC0  }
0x8b: {  	[tilespmem:s21], [sflag:$0x2] =	stream.indirect.gather [hbm4b:s4+s13], $0x20, s20, s13, $0xb8;
	[tilespmem:$0x1E000] =	vst v63  }
0x8c: {  	s6 =	simm.s32 $0x780;
	s7 =	simm.s32 $0x10300  }
0x8d: {  	[tilespmem:s7], [sflag:$0x2] =	stream.indirect.gather [hbm4b:s4+s13], $0x20, s6, s13, $0xb8;
	[tilespmem:$0x1E000] =	vst v63  }
0x8e: {  	s14 =	simm.s32 $0x7A0;
	s15 =	simm.s32 $0x10640  }
0x8f: {  	[tilespmem:s15], [sflag:$0x2] =	stream.indirect.gather [hbm4b:s4+s13], $0x20, s14, s13, $0xb8;
	[tilespmem:$0x1E000] =	vst v63  }
0x90: {  	s16 =	simm.s32 $0x7C0;
	s17 =	simm.s32 $0x10980  }
0x91: {  	[tilespmem:s17], [sflag:$0x2] =	stream.indirect.gather [hbm4b:s4+s13], $0x20, s16, s13, $0xb8;
	[tilespmem:$0x1E000] =	vst v63  }
0x92: {  	s20 =	simm.s32 $0x7E0;
	s21 =	simm.s32 $0x10CC0  }
0x93: {  	[tilespmem:s21], [sflag:$0x2] =	stream.indirect.gather [hbm4b:s4+s13], $0x20, s20, s13, $0xb8;
	[tilespmem:$0x1E000] =	vst v63  }
0x94: {  	s7 =	simm.s32 $0x800  }
0x95: {  	[tilespmem:s19], [sflag:$0x3] =	stream.indirect.gather [hbm4b:s4+s13], $0x20, s7, s13, $0xb8;
	[tilespmem:$0x1E000] =	vst v63  }
0x96: {  	s14 =	simm.s32 $0x820;
	s15 =	simm.s32 $0x11340  }
0x97: {  	[tilespmem:s15], [sflag:$0x3] =	stream.indirect.gather [hbm4b:s4+s13], $0x20, s14, s13, $0xb8;
	[tilespmem:$0x1E000] =	vst v63  }
0x98: {  	s16 =	simm.s32 $0x840;
	s17 =	simm.s32 $0x11680  }
0x99: {  	[tilespmem:s17], [sflag:$0x3] =	stream.indirect.gather [hbm4b:s4+s13], $0x20, s16, s13, $0xb8;
	[tilespmem:$0x1E000] =	vst v63  }
0x9a: {  	s20 =	simm.s32 $0x860;
	s21 =	simm.s32 $0x119C0  }
0x9b: {  	[tilespmem:s21], [sflag:$0x3] =	stream.indirect.gather [hbm4b:s4+s13], $0x20, s20, s13, $0xb8;
	[tilespmem:$0x1E000] =	vst v63  }
0x9c: {  	s6 =	simm.s32 $0x880;
	s7 =	simm.s32 $0x11D00  }
0x9d: {  	[tilespmem:s7], [sflag:$0x3] =	stream.indirect.gather [hbm4b:s4+s13], $0x20, s6, s13, $0xb8;
	[tilespmem:$0x1E000] =	vst v63  }
0x9e: {  	s14 =	simm.s32 $0x8A0;
	s15 =	simm.s32 $0x12040  }
0x9f: {  	[tilespmem:s15], [sflag:$0x3] =	stream.indirect.gather [hbm4b:s4+s13], $0x20, s14, s13, $0xb8;
	[tilespmem:$0x1E000] =	vst v63  }
0xa0: {  	s16 =	simm.s32 $0x8C0;
	s17 =	simm.s32 $0x12380  }
0xa1: {  	[tilespmem:s17], [sflag:$0x3] =	stream.indirect.gather [hbm4b:s4+s13], $0x20, s16, s13, $0xb8;
	[tilespmem:$0x1E000] =	vst v63  }
0xa2: {  	s20 =	simm.s32 $0x8E0;
	s21 =	simm.s32 $0x126C0  }
0xa3: {  	[tilespmem:s21], [sflag:$0x3] =	stream.indirect.gather [hbm4b:s4+s13], $0x20, s20, s13, $0xb8;
	[tilespmem:$0x1E000] =	vst v63  }
0xa4: {  	s6 =	simm.s32 $0x900;
	s7 =	simm.s32 $0x12A00  }
0xa5: {  	[tilespmem:s7], [sflag:$0x3] =	stream.indirect.gather [hbm4b:s4+s13], $0x20, s6, s13, $0xb8;
	[tilespmem:$0x1E000] =	vst v63  }
0xa6: {  	s14 =	simm.s32 $0x920;
	s15 =	simm.s32 $0x12D40  }
0xa7: {  	[tilespmem:s15], [sflag:$0x3] =	stream.indirect.gather [hbm4b:s4+s13], $0x20, s14, s13, $0xb8;
	[tilespmem:$0x1E000] =	vst v63  }
0xa8: {  	s16 =	simm.s32 $0x940;
	s17 =	simm.s32 $0x13080  }
0xa9: {  	[tilespmem:s17], [sflag:$0x3] =	stream.indirect.gather [hbm4b:s4+s13], $0x20, s16, s13, $0xb8;
	[tilespmem:$0x1E000] =	vst v63  }
0xaa: {  	s20 =	simm.s32 $0x960;
	s21 =	simm.s32 $0x133C0  }
0xab: {  	[tilespmem:s21], [sflag:$0x3] =	stream.indirect.gather [hbm4b:s4+s13], $0x20, s20, s13, $0xb8;
	[tilespmem:$0x1E000] =	vst v63  }
0xac: {  	s6 =	simm.s32 $0x980;
	s7 =	simm.s32 $0x13700  }
0xad: {  	[tilespmem:s7], [sflag:$0x3] =	stream.indirect.gather [hbm4b:s4+s13], $0x20, s6, s13, $0xb8;
	[tilespmem:$0x1E000] =	vst v63  }
0xae: {  	s14 =	simm.s32 $0x9A0;
	s15 =	simm.s32 $0x13A40  }
0xaf: {  	[tilespmem:s15], [sflag:$0x3] =	stream.indirect.gather [hbm4b:s4+s13], $0x20, s14, s13, $0xb8;
	[tilespmem:$0x1E000] =	vst v63  }
0xb0: {  	s16 =	simm.s32 $0x9C0;
	s17 =	simm.s32 $0x13D80  }
0xb1: {  	[tilespmem:s17], [sflag:$0x3] =	stream.indirect.gather [hbm4b:s4+s13], $0x20, s16, s13, $0xb8;
	[tilespmem:$0x1E000] =	vst v63  }
0xb2: {  	s20 =	simm.s32 $0x9E0;
	s21 =	simm.s32 $0x140C0  }
0xb3: {  	[tilespmem:s21], [sflag:$0x3] =	stream.indirect.gather [hbm4b:s4+s13], $0x20, s20, s13, $0xb8;
	[tilespmem:$0x1E000] =	vst v63  }
0xb4: {  	s6 =	simm.s32 $0xA00;
	s7 =	simm.s32 $0x14400  }
0xb5: {  	[tilespmem:s7], [sflag:$0x3] =	stream.indirect.gather [hbm4b:s4+s13], $0x20, s6, s13, $0xb8;
	[tilespmem:$0x1E000] =	vst v63  }
0xb6: {  	s14 =	simm.s32 $0xA20;
	s15 =	simm.s32 $0x14740  }
0xb7: {  	[tilespmem:s15], [sflag:$0x3] =	stream.indirect.gather [hbm4b:s4+s13], $0x20, s14, s13, $0xb8;
	[tilespmem:$0x1E000] =	vst v63  }
0xb8: {  	s16 =	simm.s32 $0xA40;
	s17 =	simm.s32 $0x14A80  }
0xb9: {  	[tilespmem:s17], [sflag:$0x3] =	stream.indirect.gather [hbm4b:s4+s13], $0x20, s16, s13, $0xb8;
	[tilespmem:$0x1E000] =	vst v63  }
0xba: {  	s20 =	simm.s32 $0xA60;
	s21 =	simm.s32 $0x14DC0  }
0xbb: {  	[tilespmem:s21], [sflag:$0x3] =	stream.indirect.gather [hbm4b:s4+s13], $0x20, s20, s13, $0xb8;
	[tilespmem:$0x1E000] =	vst v63  }
0xbc: {  	s6 =	simm.s32 $0xA80;
	s7 =	simm.s32 $0x15100  }
0xbd: {  	[tilespmem:s7], [sflag:$0x3] =	stream.indirect.gather [hbm4b:s4+s13], $0x20, s6, s13, $0xb8;
	[tilespmem:$0x1E000] =	vst v63  }
0xbe: {  	s14 =	simm.s32 $0xAA0;
	s15 =	simm.s32 $0x15440  }
0xbf: {  	[tilespmem:s15], [sflag:$0x3] =	stream.indirect.gather [hbm4b:s4+s13], $0x20, s14, s13, $0xb8;
	[tilespmem:$0x1E000] =	vst v63  }
0xc0: {  	s16 =	simm.s32 $0xAC0;
	s17 =	simm.s32 $0x15780  }
0xc1: {  	[tilespmem:s17], [sflag:$0x3] =	stream.indirect.gather [hbm4b:s4+s13], $0x20, s16, s13, $0xb8;
	[tilespmem:$0x1E000] =	vst v63  }
0xc2: {  	s20 =	simm.s32 $0xAE0;
	s21 =	simm.s32 $0x15AC0  }
0xc3: {  	[tilespmem:s21], [sflag:$0x3] =	stream.indirect.gather [hbm4b:s4+s13], $0x20, s20, s13, $0xb8;
	[tilespmem:$0x1E000] =	vst v63  }
0xc4: {  	s6 =	simm.s32 $0xB00;
	s7 =	simm.s32 $0x15E00  }
0xc5: {  	[tilespmem:s7], [sflag:$0x3] =	stream.indirect.gather [hbm4b:s4+s13], $0x20, s6, s13, $0xb8;
	[tilespmem:$0x1E000] =	vst v63  }
0xc6: {  	s14 =	simm.s32 $0xB20;
	s15 =	simm.s32 $0x16140  }
0xc7: {  	[tilespmem:s15], [sflag:$0x3] =	stream.indirect.gather [hbm4b:s4+s13], $0x20, s14, s13, $0xb8;
	[tilespmem:$0x1E000] =	vst v63  }
0xc8: {  	s16 =	simm.s32 $0xB40;
	s17 =	simm.s32 $0x16480  }
0xc9: {  	[tilespmem:s17], [sflag:$0x3] =	stream.indirect.gather [hbm4b:s4+s13], $0x20, s16, s13, $0xb8;
	[tilespmem:$0x1E000] =	vst v63  }
0xca: {  	s20 =	simm.s32 $0xB60;
	s21 =	simm.s32 $0x167C0  }
0xcb: {  	[tilespmem:s21], [sflag:$0x3] =	stream.indirect.gather [hbm4b:s4+s13], $0x20, s20, s13, $0xb8;
	[tilespmem:$0x1E000] =	vst v63  }
0xcc: {  	s6 =	simm.s32 $0xB80;
	s7 =	simm.s32 $0x16B00  }
0xcd: {  	[tilespmem:s7], [sflag:$0x3] =	stream.indirect.gather [hbm4b:s4+s13], $0x20, s6, s13, $0xb8;
	[tilespmem:$0x1E000] =	vst v63  }
0xce: {  	s14 =	simm.s32 $0xBA0;
	s15 =	simm.s32 $0x16E40  }
0xcf: {  	[tilespmem:s15], [sflag:$0x3] =	stream.indirect.gather [hbm4b:s4+s13], $0x20, s14, s13, $0xb8;
	[tilespmem:$0x1E000] =	vst v63  }
0xd0: {  	s16 =	simm.s32 $0xBC0;
	s17 =	simm.s32 $0x17180  }
0xd1: {  	[tilespmem:s17], [sflag:$0x3] =	stream.indirect.gather [hbm4b:s4+s13], $0x20, s16, s13, $0xb8;
	[tilespmem:$0x1E000] =	vst v63  }
0xd2: {  	s20 =	simm.s32 $0xBE0;
	s21 =	simm.s32 $0x174C0  }
0xd3: {  	[tilespmem:s21], [sflag:$0x3] =	stream.indirect.gather [hbm4b:s4+s13], $0x20, s20, s13, $0xb8;
	[tilespmem:$0x1E000] =	vst v63  }
0xd4: {  	s7 =	simm.s32 $0xC00  }
0xd5: {  	[tilespmem:s18], [sflag:$0x4] =	stream.indirect.gather [hbm4b:s4+s13], $0x20, s7, s13, $0xb8;
	[tilespmem:$0x1E000] =	vst v63  }
0xd6: {  	s14 =	simm.s32 $0xC20;
	s15 =	simm.s32 $0x17B40  }
0xd7: {  	[tilespmem:s15], [sflag:$0x4] =	stream.indirect.gather [hbm4b:s4+s13], $0x20, s14, s13, $0xb8;
	[tilespmem:$0x1E000] =	vst v63  }
0xd8: {  	s16 =	simm.s32 $0xC40;
	s17 =	simm.s32 $0x17E80  }
0xd9: {  	[tilespmem:s17], [sflag:$0x4] =	stream.indirect.gather [hbm4b:s4+s13], $0x20, s16, s13, $0xb8;
	[tilespmem:$0x1E000] =	vst v63  }
0xda: {  	s20 =	simm.s32 $0xC60;
	s21 =	simm.s32 $0x181C0  }
0xdb: {  	[tilespmem:s21], [sflag:$0x4] =	stream.indirect.gather [hbm4b:s4+s13], $0x20, s20, s13, $0xb8;
	[tilespmem:$0x1E000] =	vst v63  }
0xdc: {  	s6 =	simm.s32 $0xC80;
	s7 =	simm.s32 $0x18500  }
0xdd: {  	[tilespmem:s7], [sflag:$0x4] =	stream.indirect.gather [hbm4b:s4+s13], $0x20, s6, s13, $0xb8;
	[tilespmem:$0x1E000] =	vst v63  }
0xde: {  	s14 =	simm.s32 $0xCA0;
	s15 =	simm.s32 $0x18840  }
0xdf: {  	[tilespmem:s15], [sflag:$0x4] =	stream.indirect.gather [hbm4b:s4+s13], $0x20, s14, s13, $0xb8;
	[tilespmem:$0x1E000] =	vst v63  }
0xe0: {  	s16 =	simm.s32 $0xCC0;
	s17 =	simm.s32 $0x18B80  }
0xe1: {  	[tilespmem:s17], [sflag:$0x4] =	stream.indirect.gather [hbm4b:s4+s13], $0x20, s16, s13, $0xb8;
	[tilespmem:$0x1E000] =	vst v63  }
0xe2: {  	s20 =	simm.s32 $0xCE0;
	s21 =	simm.s32 $0x18EC0  }
0xe3: {  	[tilespmem:s21], [sflag:$0x4] =	stream.indirect.gather [hbm4b:s4+s13], $0x20, s20, s13, $0xb8;
	[tilespmem:$0x1E000] =	vst v63  }
0xe4: {  	s6 =	simm.s32 $0xD00;
	s7 =	simm.s32 $0x19200  }
0xe5: {  	[tilespmem:s7], [sflag:$0x4] =	stream.indirect.gather [hbm4b:s4+s13], $0x20, s6, s13, $0xb8;
	[tilespmem:$0x1E000] =	vst v63  }
0xe6: {  	s14 =	simm.s32 $0xD20;
	s15 =	simm.s32 $0x19540  }
0xe7: {  	[tilespmem:s15], [sflag:$0x4] =	stream.indirect.gather [hbm4b:s4+s13], $0x20, s14, s13, $0xb8;
	[tilespmem:$0x1E000] =	vst v63  }
0xe8: {  	s16 =	simm.s32 $0xD40;
	s17 =	simm.s32 $0x19880  }
0xe9: {  	[tilespmem:s17], [sflag:$0x4] =	stream.indirect.gather [hbm4b:s4+s13], $0x20, s16, s13, $0xb8;
	[tilespmem:$0x1E000] =	vst v63  }
0xea: {  	s20 =	simm.s32 $0xD60;
	s21 =	simm.s32 $0x19BC0  }
0xeb: {  	[tilespmem:s21], [sflag:$0x4] =	stream.indirect.gather [hbm4b:s4+s13], $0x20, s20, s13, $0xb8;
	[tilespmem:$0x1E000] =	vst v63  }
0xec: {  	s6 =	simm.s32 $0xD80;
	s7 =	simm.s32 $0x19F00  }
0xed: {  	[tilespmem:s7], [sflag:$0x4] =	stream.indirect.gather [hbm4b:s4+s13], $0x20, s6, s13, $0xb8;
	[tilespmem:$0x1E000] =	vst v63  }
0xee: {  	s14 =	simm.s32 $0xDA0;
	s15 =	simm.s32 $0x1A240  }
0xef: {  	[tilespmem:s15], [sflag:$0x4] =	stream.indirect.gather [hbm4b:s4+s13], $0x20, s14, s13, $0xb8;
	[tilespmem:$0x1E000] =	vst v63  }
0xf0: {  	s16 =	simm.s32 $0xDC0;
	s17 =	simm.s32 $0x1A580  }
0xf1: {  	[tilespmem:s17], [sflag:$0x4] =	stream.indirect.gather [hbm4b:s4+s13], $0x20, s16, s13, $0xb8;
	[tilespmem:$0x1E000] =	vst v63  }
0xf2: {  	s20 =	simm.s32 $0xDE0;
	s21 =	simm.s32 $0x1A8C0  }
0xf3: {  	[tilespmem:s21], [sflag:$0x4] =	stream.indirect.gather [hbm4b:s4+s13], $0x20, s20, s13, $0xb8;
	[tilespmem:$0x1E000] =	vst v63  }
0xf4: {  	s6 =	simm.s32 $0xE00;
	s7 =	simm.s32 $0x1AC00  }
0xf5: {  	[tilespmem:s7], [sflag:$0x4] =	stream.indirect.gather [hbm4b:s4+s13], $0x20, s6, s13, $0xb8;
	[tilespmem:$0x1E000] =	vst v63  }
0xf6: {  	s14 =	simm.s32 $0xE20;
	s15 =	simm.s32 $0x1AF40  }
0xf7: {  	[tilespmem:s15], [sflag:$0x4] =	stream.indirect.gather [hbm4b:s4+s13], $0x20, s14, s13, $0xb8;
	[tilespmem:$0x1E000] =	vst v63  }
0xf8: {  	s16 =	simm.s32 $0xE40;
	s17 =	simm.s32 $0x1B280  }
0xf9: {  	[tilespmem:s17], [sflag:$0x4] =	stream.indirect.gather [hbm4b:s4+s13], $0x20, s16, s13, $0xb8;
	[tilespmem:$0x1E000] =	vst v63  }
0xfa: {  	s20 =	simm.s32 $0xE60;
	s21 =	simm.s32 $0x1B5C0  }
0xfb: {  	[tilespmem:s21], [sflag:$0x4] =	stream.indirect.gather [hbm4b:s4+s13], $0x20, s20, s13, $0xb8;
	[tilespmem:$0x1E000] =	vst v63  }
0xfc: {  	s6 =	simm.s32 $0xE80;
	s7 =	simm.s32 $0x1B900  }
0xfd: {  	[tilespmem:s7], [sflag:$0x4] =	stream.indirect.gather [hbm4b:s4+s13], $0x20, s6, s13, $0xb8;
	[tilespmem:$0x1E000] =	vst v63  }
0xfe: {  	s14 =	simm.s32 $0xEA0;
	s15 =	simm.s32 $0x1BC40  }
0xff: {  	[tilespmem:s15], [sflag:$0x4] =	stream.indirect.gather [hbm4b:s4+s13], $0x20, s14, s13, $0xb8;
	[tilespmem:$0x1E000] =	vst v63  }
0x100: {  	s16 =	simm.s32 $0xEC0;
	s17 =	simm.s32 $0x1BF80  }
0x101: {  	[tilespmem:s17], [sflag:$0x4] =	stream.indirect.gather [hbm4b:s4+s13], $0x20, s16, s13, $0xb8;
	[tilespmem:$0x1E000] =	vst v63  }
0x102: {  	s20 =	simm.s32 $0xEE0;
	s21 =	simm.s32 $0x1C2C0  }
0x103: {  	[tilespmem:s21], [sflag:$0x4] =	stream.indirect.gather [hbm4b:s4+s13], $0x20, s20, s13, $0xb8;
	[tilespmem:$0x1E000] =	vst v63  }
0x104: {  	s6 =	simm.s32 $0xF00;
	s7 =	simm.s32 $0x1C600  }
0x105: {  	[tilespmem:s7], [sflag:$0x4] =	stream.indirect.gather [hbm4b:s4+s13], $0x20, s6, s13, $0xb8;
	[tilespmem:$0x1E000] =	vst v63  }
0x106: {  	s14 =	simm.s32 $0xF20;
	s15 =	simm.s32 $0x1C940  }
0x107: {  	[tilespmem:s15], [sflag:$0x4] =	stream.indirect.gather [hbm4b:s4+s13], $0x20, s14, s13, $0xb8;
	[tilespmem:$0x1E000] =	vst v63  }
0x108: {  	s16 =	simm.s32 $0xF40;
	s17 =	simm.s32 $0x1CC80  }
0x109: {  	[tilespmem:s17], [sflag:$0x4] =	stream.indirect.gather [hbm4b:s4+s13], $0x20, s16, s13, $0xb8;
	[tilespmem:$0x1E000] =	vst v63  }
0x10a: {  	s20 =	simm.s32 $0xF60;
	s21 =	simm.s32 $0x1CFC0  }
0x10b: {  	[tilespmem:s21], [sflag:$0x4] =	stream.indirect.gather [hbm4b:s4+s13], $0x20, s20, s13, $0xb8;
	[tilespmem:$0x1E000] =	vst v63  }
0x10c: {  	s6 =	simm.s32 $0xF80;
	s7 =	simm.s32 $0x1D300  }
0x10d: {  	[tilespmem:s7], [sflag:$0x4] =	stream.indirect.gather [hbm4b:s4+s13], $0x20, s6, s13, $0xb8;
	[tilespmem:$0x1E000] =	vst v63  }
0x10e: {  	s14 =	simm.s32 $0xFA0;
	s15 =	simm.s32 $0x1D640  }
0x10f: {  	[tilespmem:s15], [sflag:$0x4] =	stream.indirect.gather [hbm4b:s4+s13], $0x20, s14, s13, $0xb8;
	[tilespmem:$0x1E000] =	vst v63  }
0x110: {  	s0 =	simm.s32 $0x1000;
	s16 =	simm.s32 $0xFC0;
	s17 =	simm.s32 $0x1D980  }
0x111: {  	[tilespmem:s17], [sflag:$0x4] =	stream.indirect.gather [hbm4b:s4+s13], $0x20, s16, s13, $0xb8;
	[tilespmem:$0x1E000] =	vst v63  }
0x112: {  	s20 =	simm.s32 $0xFE0;
	s21 =	simm.s32 $0x1DCC0;
	s15 =	simm.s32 $0x1400  }
0x113: {  	[tilespmem:s21], [sflag:$0x4] =	stream.indirect.gather [hbm4b:s4+s13], $0x20, s20, s13, $0xb8;
	[tilespmem:$0x1E000] =	vst v63  }
0x114: {  	s16 =	simm.s32 $0x1800;
	s17 =	simm.s32 $0x1C00;
	s20 =	simm.s32 $0x0  }
.LBB2_2:
0x115: {  	_ =	swait.ge [sflag:s22], $0x340  }
0x116: {  	[sflag:s22] =	ssyncset.done $0x0  }
0x117: {  	[sflag:s22] =	ssyncadd.s32 $0xFFFFFCC0  }
0x118: {  	_ =	swait.ge [sflag:s22], $0x340  }
0x119: {  	[sflag:s22] =	ssyncset.done $0x0  }
0x11a: {  	[sflag:s22] =	ssyncadd.s32 $0xFFFFFCC0  }
0x11b: {  	_ =	swait.ge [sflag:s22], $0x340  }
0x11c: {  	[sflag:s22] =	ssyncset.done $0x0  }
0x11d: {  	[sflag:s22] =	ssyncadd.s32 $0xFFFFFCC0  }
0x11e: {  	_ =	swait.ge [sflag:s22], $0x340  }
0x11f: {  	[sflag:s22] =	ssyncset.done $0x0  }
0x120: {  	[sflag:s22] =	ssyncadd.s32 $0xFFFFFCC0  }
0x121: {  	_ =	swait.ge [sflag:s22], $0x340  }
0x122: {  	[sflag:s22] =	ssyncset.done $0x0  }
0x123: {  	[sflag:s22] =	ssyncadd.s32 $0xFFFFFCC0  }
0x124: {  	_ =	swait.ge [sflag:s22], $0x340  }
0x125: {  	[sflag:s22] =	ssyncset.done $0x0  }
0x126: {  	[sflag:s22] =	ssyncadd.s32 $0xFFFFFCC0  }
0x127: {  	_ =	swait.ge [sflag:s22], $0x340  }
0x128: {  	[sflag:s22] =	ssyncset.done $0x0  }
0x129: {  	[sflag:s22] =	ssyncadd.s32 $0xFFFFFCC0  }
0x12a: {  	_ =	swait.ge [sflag:s22], $0x340  }
0x12b: {  	[sflag:s22] =	ssyncset.done $0x0  }
0x12c: {  	[sflag:s22] =	ssyncadd.s32 $0xFFFFFCC0  }
0x12d: {  	_ =	swait.ge [sflag:s22], $0x340  }
0x12e: {  	[sflag:s22] =	ssyncset.done $0x0  }
0x12f: {  	[sflag:s22] =	ssyncadd.s32 $0xFFFFFCC0  }
0x130: {  	_ =	swait.ge [sflag:s22], $0x340  }
0x131: {  	[sflag:s22] =	ssyncset.done $0x0  }
0x132: {  	[sflag:s22] =	ssyncadd.s32 $0xFFFFFCC0  }
0x133: {  	_ =	swait.ge [sflag:s22], $0x340  }
0x134: {  	[sflag:s22] =	ssyncset.done $0x0  }
0x135: {  	[sflag:s22] =	ssyncadd.s32 $0xFFFFFCC0  }
0x136: {  	_ =	swait.ge [sflag:s22], $0x340  }
0x137: {  	[sflag:s22] =	ssyncset.done $0x0  }
0x138: {  	[sflag:s22] =	ssyncadd.s32 $0xFFFFFCC0  }
0x139: {  	_ =	swait.ge [sflag:s22], $0x340  }
0x13a: {  	[sflag:s22] =	ssyncset.done $0x0  }
0x13b: {  	[sflag:s22] =	ssyncadd.s32 $0xFFFFFCC0  }
0x13c: {  	_ =	swait.ge [sflag:s22], $0x340  }
0x13d: {  	[sflag:s22] =	ssyncset.done $0x0  }
0x13e: {  	[sflag:s22] =	ssyncadd.s32 $0xFFFFFCC0  }
0x13f: {  	_ =	swait.ge [sflag:s22], $0x340  }
0x140: {  	[sflag:s22] =	ssyncset.done $0x0  }
0x141: {  	[sflag:s22] =	ssyncadd.s32 $0xFFFFFCC0  }
0x142: {  	_ =	swait.ge [sflag:s22], $0x340  }
0x143: {  	[sflag:s22] =	ssyncset.done $0x0  }
0x144: {  	[sflag:s22] =	ssyncadd.s32 $0xFFFFFCC0  }
0x145: {  	_ =	swait.ge [sflag:s22], $0x340  }
0x146: {  	[sflag:s22] =	ssyncset.done $0x0  }
0x147: {  	[sflag:s22] =	ssyncadd.s32 $0xFFFFFCC0  }
0x148: {  	_ =	swait.ge [sflag:s22], $0x340  }
0x149: {  	[sflag:s22] =	ssyncset.done $0x0  }
0x14a: {  	[sflag:s22] =	ssyncadd.s32 $0xFFFFFCC0  }
0x14b: {  	_ =	swait.ge [sflag:s22], $0x340  }
0x14c: {  	[sflag:s22] =	ssyncset.done $0x0  }
0x14d: {  	[sflag:s22] =	ssyncadd.s32 $0xFFFFFCC0  }
0x14e: {  	_ =	swait.ge [sflag:s22], $0x340  }
0x14f: {  	[sflag:s22] =	ssyncset.done $0x0  }
0x150: {  	[sflag:s22] =	ssyncadd.s32 $0xFFFFFCC0  }
0x151: {  	_ =	swait.ge [sflag:s22], $0x340  }
0x152: {  	[sflag:s22] =	ssyncset.done $0x0  }
0x153: {  	[sflag:s22] =	ssyncadd.s32 $0xFFFFFCC0  }
0x154: {  	_ =	swait.ge [sflag:s22], $0x340  }
0x155: {  	[sflag:s22] =	ssyncset.done $0x0  }
0x156: {  	[sflag:s22] =	ssyncadd.s32 $0xFFFFFCC0  }
0x157: {  	_ =	swait.ge [sflag:s22], $0x340  }
0x158: {  	[sflag:s22] =	ssyncset.done $0x0  }
0x159: {  	[sflag:s22] =	ssyncadd.s32 $0xFFFFFCC0  }
0x15a: {  	_ =	swait.ge [sflag:s22], $0x340  }
0x15b: {  	[sflag:s22] =	ssyncset.done $0x0  }
0x15c: {  	[sflag:s22] =	ssyncadd.s32 $0xFFFFFCC0  }
0x15d: {  	_ =	swait.ge [sflag:s22], $0x340  }
0x15e: {  	[sflag:s22] =	ssyncset.done $0x0  }
0x15f: {  	[sflag:s22] =	ssyncadd.s32 $0xFFFFFCC0  }
0x160: {  	_ =	swait.ge [sflag:s22], $0x340  }
0x161: {  	[sflag:s22] =	ssyncset.done $0x0  }
0x162: {  	[sflag:s22] =	ssyncadd.s32 $0xFFFFFCC0  }
0x163: {  	_ =	swait.ge [sflag:s22], $0x340  }
0x164: {  	[sflag:s22] =	ssyncset.done $0x0  }
0x165: {  	[sflag:s22] =	ssyncadd.s32 $0xFFFFFCC0  }
0x166: {  	_ =	swait.ge [sflag:s22], $0x340  }
0x167: {  	[sflag:s22] =	ssyncset.done $0x0  }
0x168: {  	[sflag:s22] =	ssyncadd.s32 $0xFFFFFCC0  }
0x169: {  	_ =	swait.ge [sflag:s22], $0x340  }
0x16a: {  	[sflag:s22] =	ssyncset.done $0x0  }
0x16b: {  	[sflag:s22] =	ssyncadd.s32 $0xFFFFFCC0  }
0x16c: {  	_ =	swait.ge [sflag:s22], $0x340  }
0x16d: {  	[sflag:s22] =	ssyncset.done $0x0  }
0x16e: {  	[sflag:s22] =	ssyncadd.s32 $0xFFFFFCC0  }
0x16f: {  	_ =	swait.ge [sflag:s22], $0x340  }
0x170: {  	s6 =	sshll.u32 s20, $0x7;
	[sflag:s22] =	ssyncset.done $0x0  }
0x171: {  	s6 =	sadd.s32 s5, s6;
	[sflag:s22] =	ssyncadd.s32 $0xFFFFFCC0  }
0x172: {  	s6 =	smul.u32 $0x68, s6;
	_ =	swait.ge [sflag:s22], $0x340  }
0x173: {  	s14 =	simm.s32 $0x0;
	[sflag:s22] =	ssyncset.done $0x0  }
0x174: {  	s21 =	simm.s32 $0x4000;
	s6 =	sadd.s32 s2, s6;
	[sflag:s22] =	ssyncadd.s32 $0xFFFFFCC0  }
0x175: {  	[hbm4b:s6+s14] =	stream.linear.scatter [tilespmem:s21], [sflag:$0x5], $0x6800, $0x38;
	[tilespmem:$0x1E000] =	vst v63  }
0x176: {  	_ =	swait.ge [sflag:s23], $0x340  }
0x177: {  	[sflag:s23] =	ssyncset.done $0x0  }
0x178: {  	[sflag:s23] =	ssyncadd.s32 $0xFFFFFCC0  }
0x179: {  	_ =	swait.ge [sflag:s23], $0x340  }
0x17a: {  	[sflag:s23] =	ssyncset.done $0x0  }
0x17b: {  	[sflag:s23] =	ssyncadd.s32 $0xFFFFFCC0  }
0x17c: {  	_ =	swait.ge [sflag:s23], $0x340  }
0x17d: {  	[sflag:s23] =	ssyncset.done $0x0  }
0x17e: {  	[sflag:s23] =	ssyncadd.s32 $0xFFFFFCC0  }
0x17f: {  	_ =	swait.ge [sflag:s23], $0x340  }
0x180: {  	[sflag:s23] =	ssyncset.done $0x0  }
0x181: {  	[sflag:s23] =	ssyncadd.s32 $0xFFFFFCC0  }
0x182: {  	_ =	swait.ge [sflag:s23], $0x340  }
0x183: {  	[sflag:s23] =	ssyncset.done $0x0  }
0x184: {  	[sflag:s23] =	ssyncadd.s32 $0xFFFFFCC0  }
0x185: {  	_ =	swait.ge [sflag:s23], $0x340  }
0x186: {  	[sflag:s23] =	ssyncset.done $0x0  }
0x187: {  	[sflag:s23] =	ssyncadd.s32 $0xFFFFFCC0  }
0x188: {  	_ =	swait.ge [sflag:s23], $0x340  }
0x189: {  	[sflag:s23] =	ssyncset.done $0x0  }
0x18a: {  	[sflag:s23] =	ssyncadd.s32 $0xFFFFFCC0  }
0x18b: {  	_ =	swait.ge [sflag:s23], $0x340  }
0x18c: {  	[sflag:s23] =	ssyncset.done $0x0  }
0x18d: {  	[sflag:s23] =	ssyncadd.s32 $0xFFFFFCC0  }
0x18e: {  	_ =	swait.ge [sflag:s23], $0x340  }
0x18f: {  	[sflag:s23] =	ssyncset.done $0x0  }
0x190: {  	[sflag:s23] =	ssyncadd.s32 $0xFFFFFCC0  }
0x191: {  	_ =	swait.ge [sflag:s23], $0x340  }
0x192: {  	[sflag:s23] =	ssyncset.done $0x0  }
0x193: {  	[sflag:s23] =	ssyncadd.s32 $0xFFFFFCC0  }
0x194: {  	_ =	swait.ge [sflag:s23], $0x340  }
0x195: {  	[sflag:s23] =	ssyncset.done $0x0  }
0x196: {  	[sflag:s23] =	ssyncadd.s32 $0xFFFFFCC0  }
0x197: {  	_ =	swait.ge [sflag:s23], $0x340  }
0x198: {  	[sflag:s23] =	ssyncset.done $0x0  }
0x199: {  	[sflag:s23] =	ssyncadd.s32 $0xFFFFFCC0  }
0x19a: {  	_ =	swait.ge [sflag:s23], $0x340  }
0x19b: {  	[sflag:s23] =	ssyncset.done $0x0  }
0x19c: {  	[sflag:s23] =	ssyncadd.s32 $0xFFFFFCC0  }
0x19d: {  	_ =	swait.ge [sflag:s23], $0x340  }
0x19e: {  	[sflag:s23] =	ssyncset.done $0x0  }
0x19f: {  	[sflag:s23] =	ssyncadd.s32 $0xFFFFFCC0  }
0x1a0: {  	_ =	swait.ge [sflag:s23], $0x340  }
0x1a1: {  	[sflag:s23] =	ssyncset.done $0x0  }
0x1a2: {  	[sflag:s23] =	ssyncadd.s32 $0xFFFFFCC0  }
0x1a3: {  	_ =	swait.ge [sflag:s23], $0x340  }
0x1a4: {  	[sflag:s23] =	ssyncset.done $0x0  }
0x1a5: {  	[sflag:s23] =	ssyncadd.s32 $0xFFFFFCC0  }
0x1a6: {  	_ =	swait.ge [sflag:s23], $0x340  }
0x1a7: {  	[sflag:s23] =	ssyncset.done $0x0  }
0x1a8: {  	[sflag:s23] =	ssyncadd.s32 $0xFFFFFCC0  }
0x1a9: {  	_ =	swait.ge [sflag:s23], $0x340  }
0x1aa: {  	[sflag:s23] =	ssyncset.done $0x0  }
0x1ab: {  	[sflag:s23] =	ssyncadd.s32 $0xFFFFFCC0  }
0x1ac: {  	_ =	swait.ge [sflag:s23], $0x340  }
0x1ad: {  	[sflag:s23] =	ssyncset.done $0x0  }
0x1ae: {  	[sflag:s23] =	ssyncadd.s32 $0xFFFFFCC0  }
0x1af: {  	_ =	swait.ge [sflag:s23], $0x340  }
0x1b0: {  	[sflag:s23] =	ssyncset.done $0x0  }
0x1b1: {  	[sflag:s23] =	ssyncadd.s32 $0xFFFFFCC0  }
0x1b2: {  	_ =	swait.ge [sflag:s23], $0x340  }
0x1b3: {  	[sflag:s23] =	ssyncset.done $0x0  }
0x1b4: {  	[sflag:s23] =	ssyncadd.s32 $0xFFFFFCC0  }
0x1b5: {  	_ =	swait.ge [sflag:s23], $0x340  }
0x1b6: {  	[sflag:s23] =	ssyncset.done $0x0  }
0x1b7: {  	[sflag:s23] =	ssyncadd.s32 $0xFFFFFCC0  }
0x1b8: {  	_ =	swait.ge [sflag:s23], $0x340  }
0x1b9: {  	[sflag:s23] =	ssyncset.done $0x0  }
0x1ba: {  	[sflag:s23] =	ssyncadd.s32 $0xFFFFFCC0  }
0x1bb: {  	_ =	swait.ge [sflag:s23], $0x340  }
0x1bc: {  	[sflag:s23] =	ssyncset.done $0x0  }
0x1bd: {  	[sflag:s23] =	ssyncadd.s32 $0xFFFFFCC0  }
0x1be: {  	_ =	swait.ge [sflag:s23], $0x340  }
0x1bf: {  	[sflag:s23] =	ssyncset.done $0x0  }
0x1c0: {  	[sflag:s23] =	ssyncadd.s32 $0xFFFFFCC0  }
0x1c1: {  	_ =	swait.ge [sflag:s23], $0x340  }
0x1c2: {  	[sflag:s23] =	ssyncset.done $0x0  }
0x1c3: {  	[sflag:s23] =	ssyncadd.s32 $0xFFFFFCC0  }
0x1c4: {  	_ =	swait.ge [sflag:s23], $0x340  }
0x1c5: {  	[sflag:s23] =	ssyncset.done $0x0  }
0x1c6: {  	[sflag:s23] =	ssyncadd.s32 $0xFFFFFCC0  }
0x1c7: {  	_ =	swait.ge [sflag:s23], $0x340  }
0x1c8: {  	[sflag:s23] =	ssyncset.done $0x0  }
0x1c9: {  	[sflag:s23] =	ssyncadd.s32 $0xFFFFFCC0  }
0x1ca: {  	_ =	swait.ge [sflag:s23], $0x340  }
0x1cb: {  	[sflag:s23] =	ssyncset.done $0x0  }
0x1cc: {  	[sflag:s23] =	ssyncadd.s32 $0xFFFFFCC0  }
0x1cd: {  	_ =	swait.ge [sflag:s23], $0x340  }
0x1ce: {  	[sflag:s23] =	ssyncset.done $0x0  }
0x1cf: {  	[sflag:s23] =	ssyncadd.s32 $0xFFFFFCC0  }
0x1d0: {  	_ =	swait.ge [sflag:s23], $0x340  }
0x1d1: {  	[sflag:s23] =	ssyncset.done $0x0  }
0x1d2: {  	[sflag:s23] =	ssyncadd.s32 $0xFFFFFCC0  }
0x1d3: {  	_ =	swait.ge [sflag:s23], $0x340  }
0x1d4: {  	[sflag:s23] =	ssyncset.done $0x0  }
0x1d5: {  	s7 =	sadd.s32 $0xD00, s6;
	[sflag:s23] =	ssyncadd.s32 $0xFFFFFCC0  }
0x1d6: {  	[hbm4b:s7+s14] =	stream.linear.scatter [tilespmem:s24], [sflag:$0x6], $0x6800, $0x38;
	[tilespmem:$0x1E000] =	vst v63  }
0x1d7: {  	_ =	swait.ge [sflag:s25], $0x340  }
0x1d8: {  	[sflag:s25] =	ssyncset.done $0x0  }
0x1d9: {  	[sflag:s25] =	ssyncadd.s32 $0xFFFFFCC0  }
0x1da: {  	_ =	swait.ge [sflag:s25], $0x340  }
0x1db: {  	[sflag:s25] =	ssyncset.done $0x0  }
0x1dc: {  	[sflag:s25] =	ssyncadd.s32 $0xFFFFFCC0  }
0x1dd: {  	_ =	swait.ge [sflag:s25], $0x340  }
0x1de: {  	[sflag:s25] =	ssyncset.done $0x0  }
0x1df: {  	[sflag:s25] =	ssyncadd.s32 $0xFFFFFCC0  }
0x1e0: {  	_ =	swait.ge [sflag:s25], $0x340  }
0x1e1: {  	[sflag:s25] =	ssyncset.done $0x0  }
0x1e2: {  	[sflag:s25] =	ssyncadd.s32 $0xFFFFFCC0  }
0x1e3: {  	_ =	swait.ge [sflag:s25], $0x340  }
0x1e4: {  	[sflag:s25] =	ssyncset.done $0x0  }
0x1e5: {  	[sflag:s25] =	ssyncadd.s32 $0xFFFFFCC0  }
0x1e6: {  	_ =	swait.ge [sflag:s25], $0x340  }
0x1e7: {  	[sflag:s25] =	ssyncset.done $0x0  }
0x1e8: {  	[sflag:s25] =	ssyncadd.s32 $0xFFFFFCC0  }
0x1e9: {  	_ =	swait.ge [sflag:s25], $0x340  }
0x1ea: {  	[sflag:s25] =	ssyncset.done $0x0  }
0x1eb: {  	[sflag:s25] =	ssyncadd.s32 $0xFFFFFCC0  }
0x1ec: {  	_ =	swait.ge [sflag:s25], $0x340  }
0x1ed: {  	[sflag:s25] =	ssyncset.done $0x0  }
0x1ee: {  	[sflag:s25] =	ssyncadd.s32 $0xFFFFFCC0  }
0x1ef: {  	_ =	swait.ge [sflag:s25], $0x340  }
0x1f0: {  	[sflag:s25] =	ssyncset.done $0x0  }
0x1f1: {  	[sflag:s25] =	ssyncadd.s32 $0xFFFFFCC0  }
0x1f2: {  	_ =	swait.ge [sflag:s25], $0x340  }
0x1f3: {  	[sflag:s25] =	ssyncset.done $0x0  }
0x1f4: {  	[sflag:s25] =	ssyncadd.s32 $0xFFFFFCC0  }
0x1f5: {  	_ =	swait.ge [sflag:s25], $0x340  }
0x1f6: {  	[sflag:s25] =	ssyncset.done $0x0  }
0x1f7: {  	[sflag:s25] =	ssyncadd.s32 $0xFFFFFCC0  }
0x1f8: {  	_ =	swait.ge [sflag:s25], $0x340  }
0x1f9: {  	[sflag:s25] =	ssyncset.done $0x0  }
0x1fa: {  	[sflag:s25] =	ssyncadd.s32 $0xFFFFFCC0  }
0x1fb: {  	_ =	swait.ge [sflag:s25], $0x340  }
0x1fc: {  	[sflag:s25] =	ssyncset.done $0x0  }
0x1fd: {  	[sflag:s25] =	ssyncadd.s32 $0xFFFFFCC0  }
0x1fe: {  	_ =	swait.ge [sflag:s25], $0x340  }
0x1ff: {  	[sflag:s25] =	ssyncset.done $0x0  }
0x200: {  	[sflag:s25] =	ssyncadd.s32 $0xFFFFFCC0  }
0x201: {  	_ =	swait.ge [sflag:s25], $0x340  }
0x202: {  	[sflag:s25] =	ssyncset.done $0x0  }
0x203: {  	[sflag:s25] =	ssyncadd.s32 $0xFFFFFCC0  }
0x204: {  	_ =	swait.ge [sflag:s25], $0x340  }
0x205: {  	[sflag:s25] =	ssyncset.done $0x0  }
0x206: {  	[sflag:s25] =	ssyncadd.s32 $0xFFFFFCC0  }
0x207: {  	_ =	swait.ge [sflag:s25], $0x340  }
0x208: {  	[sflag:s25] =	ssyncset.done $0x0  }
0x209: {  	[sflag:s25] =	ssyncadd.s32 $0xFFFFFCC0  }
0x20a: {  	_ =	swait.ge [sflag:s25], $0x340  }
0x20b: {  	[sflag:s25] =	ssyncset.done $0x0  }
0x20c: {  	[sflag:s25] =	ssyncadd.s32 $0xFFFFFCC0  }
0x20d: {  	_ =	swait.ge [sflag:s25], $0x340  }
0x20e: {  	[sflag:s25] =	ssyncset.done $0x0  }
0x20f: {  	[sflag:s25] =	ssyncadd.s32 $0xFFFFFCC0  }
0x210: {  	_ =	swait.ge [sflag:s25], $0x340  }
0x211: {  	[sflag:s25] =	ssyncset.done $0x0  }
0x212: {  	[sflag:s25] =	ssyncadd.s32 $0xFFFFFCC0  }
0x213: {  	_ =	swait.ge [sflag:s25], $0x340  }
0x214: {  	[sflag:s25] =	ssyncset.done $0x0  }
0x215: {  	[sflag:s25] =	ssyncadd.s32 $0xFFFFFCC0  }
0x216: {  	_ =	swait.ge [sflag:s25], $0x340  }
0x217: {  	[sflag:s25] =	ssyncset.done $0x0  }
0x218: {  	[sflag:s25] =	ssyncadd.s32 $0xFFFFFCC0  }
0x219: {  	_ =	swait.ge [sflag:s25], $0x340  }
0x21a: {  	[sflag:s25] =	ssyncset.done $0x0  }
0x21b: {  	[sflag:s25] =	ssyncadd.s32 $0xFFFFFCC0  }
0x21c: {  	_ =	swait.ge [sflag:s25], $0x340  }
0x21d: {  	[sflag:s25] =	ssyncset.done $0x0  }
0x21e: {  	[sflag:s25] =	ssyncadd.s32 $0xFFFFFCC0  }
0x21f: {  	_ =	swait.ge [sflag:s25], $0x340  }
0x220: {  	[sflag:s25] =	ssyncset.done $0x0  }
0x221: {  	[sflag:s25] =	ssyncadd.s32 $0xFFFFFCC0  }
0x222: {  	_ =	swait.ge [sflag:s25], $0x340  }
0x223: {  	[sflag:s25] =	ssyncset.done $0x0  }
0x224: {  	[sflag:s25] =	ssyncadd.s32 $0xFFFFFCC0  }
0x225: {  	_ =	swait.ge [sflag:s25], $0x340  }
0x226: {  	[sflag:s25] =	ssyncset.done $0x0  }
0x227: {  	[sflag:s25] =	ssyncadd.s32 $0xFFFFFCC0  }
0x228: {  	_ =	swait.ge [sflag:s25], $0x340  }
0x229: {  	[sflag:s25] =	ssyncset.done $0x0  }
0x22a: {  	[sflag:s25] =	ssyncadd.s32 $0xFFFFFCC0  }
0x22b: {  	_ =	swait.ge [sflag:s25], $0x340  }
0x22c: {  	[sflag:s25] =	ssyncset.done $0x0  }
0x22d: {  	[sflag:s25] =	ssyncadd.s32 $0xFFFFFCC0  }
0x22e: {  	_ =	swait.ge [sflag:s25], $0x340  }
0x22f: {  	[sflag:s25] =	ssyncset.done $0x0  }
0x230: {  	[sflag:s25] =	ssyncadd.s32 $0xFFFFFCC0  }
0x231: {  	_ =	swait.ge [sflag:s25], $0x340  }
0x232: {  	[sflag:s25] =	ssyncset.done $0x0  }
0x233: {  	[sflag:s25] =	ssyncadd.s32 $0xFFFFFCC0  }
0x234: {  	_ =	swait.ge [sflag:s25], $0x340  }
0x235: {  	[sflag:s25] =	ssyncset.done $0x0  }
0x236: {  	s7 =	sadd.s32 $0x1A00, s6;
	[sflag:s25] =	ssyncadd.s32 $0xFFFFFCC0  }
0x237: {  	[hbm4b:s7+s14] =	stream.linear.scatter [tilespmem:s19], [sflag:$0x7], $0x6800, $0x38;
	[tilespmem:$0x1E000] =	vst v63  }
0x238: {  	_ =	swait.ge [sflag:s26], $0x340  }
0x239: {  	[sflag:s26] =	ssyncset.done $0x0  }
0x23a: {  	[sflag:s26] =	ssyncadd.s32 $0xFFFFFCC0  }
0x23b: {  	_ =	swait.ge [sflag:s26], $0x340  }
0x23c: {  	[sflag:s26] =	ssyncset.done $0x0  }
0x23d: {  	[sflag:s26] =	ssyncadd.s32 $0xFFFFFCC0  }
0x23e: {  	_ =	swait.ge [sflag:s26], $0x340  }
0x23f: {  	[sflag:s26] =	ssyncset.done $0x0  }
0x240: {  	[sflag:s26] =	ssyncadd.s32 $0xFFFFFCC0  }
0x241: {  	_ =	swait.ge [sflag:s26], $0x340  }
0x242: {  	[sflag:s26] =	ssyncset.done $0x0  }
0x243: {  	[sflag:s26] =	ssyncadd.s32 $0xFFFFFCC0  }
0x244: {  	_ =	swait.ge [sflag:s26], $0x340  }
0x245: {  	[sflag:s26] =	ssyncset.done $0x0  }
0x246: {  	[sflag:s26] =	ssyncadd.s32 $0xFFFFFCC0  }
0x247: {  	_ =	swait.ge [sflag:s26], $0x340  }
0x248: {  	[sflag:s26] =	ssyncset.done $0x0  }
0x249: {  	[sflag:s26] =	ssyncadd.s32 $0xFFFFFCC0  }
0x24a: {  	_ =	swait.ge [sflag:s26], $0x340  }
0x24b: {  	[sflag:s26] =	ssyncset.done $0x0  }
0x24c: {  	[sflag:s26] =	ssyncadd.s32 $0xFFFFFCC0  }
0x24d: {  	_ =	swait.ge [sflag:s26], $0x340  }
0x24e: {  	[sflag:s26] =	ssyncset.done $0x0  }
0x24f: {  	[sflag:s26] =	ssyncadd.s32 $0xFFFFFCC0  }
0x250: {  	_ =	swait.ge [sflag:s26], $0x340  }
0x251: {  	[sflag:s26] =	ssyncset.done $0x0  }
0x252: {  	[sflag:s26] =	ssyncadd.s32 $0xFFFFFCC0  }
0x253: {  	_ =	swait.ge [sflag:s26], $0x340  }
0x254: {  	[sflag:s26] =	ssyncset.done $0x0  }
0x255: {  	[sflag:s26] =	ssyncadd.s32 $0xFFFFFCC0  }
0x256: {  	_ =	swait.ge [sflag:s26], $0x340  }
0x257: {  	[sflag:s26] =	ssyncset.done $0x0  }
0x258: {  	[sflag:s26] =	ssyncadd.s32 $0xFFFFFCC0  }
0x259: {  	_ =	swait.ge [sflag:s26], $0x340  }
0x25a: {  	[sflag:s26] =	ssyncset.done $0x0  }
0x25b: {  	[sflag:s26] =	ssyncadd.s32 $0xFFFFFCC0  }
0x25c: {  	_ =	swait.ge [sflag:s26], $0x340  }
0x25d: {  	[sflag:s26] =	ssyncset.done $0x0  }
0x25e: {  	[sflag:s26] =	ssyncadd.s32 $0xFFFFFCC0  }
0x25f: {  	_ =	swait.ge [sflag:s26], $0x340  }
0x260: {  	[sflag:s26] =	ssyncset.done $0x0  }
0x261: {  	[sflag:s26] =	ssyncadd.s32 $0xFFFFFCC0  }
0x262: {  	_ =	swait.ge [sflag:s26], $0x340  }
0x263: {  	[sflag:s26] =	ssyncset.done $0x0  }
0x264: {  	[sflag:s26] =	ssyncadd.s32 $0xFFFFFCC0  }
0x265: {  	_ =	swait.ge [sflag:s26], $0x340  }
0x266: {  	[sflag:s26] =	ssyncset.done $0x0  }
0x267: {  	[sflag:s26] =	ssyncadd.s32 $0xFFFFFCC0  }
0x268: {  	_ =	swait.ge [sflag:s26], $0x340  }
0x269: {  	[sflag:s26] =	ssyncset.done $0x0  }
0x26a: {  	[sflag:s26] =	ssyncadd.s32 $0xFFFFFCC0  }
0x26b: {  	_ =	swait.ge [sflag:s26], $0x340  }
0x26c: {  	[sflag:s26] =	ssyncset.done $0x0  }
0x26d: {  	[sflag:s26] =	ssyncadd.s32 $0xFFFFFCC0  }
0x26e: {  	_ =	swait.ge [sflag:s26], $0x340  }
0x26f: {  	[sflag:s26] =	ssyncset.done $0x0  }
0x270: {  	[sflag:s26] =	ssyncadd.s32 $0xFFFFFCC0  }
0x271: {  	_ =	swait.ge [sflag:s26], $0x340  }
0x272: {  	[sflag:s26] =	ssyncset.done $0x0  }
0x273: {  	[sflag:s26] =	ssyncadd.s32 $0xFFFFFCC0  }
0x274: {  	_ =	swait.ge [sflag:s26], $0x340  }
0x275: {  	[sflag:s26] =	ssyncset.done $0x0  }
0x276: {  	[sflag:s26] =	ssyncadd.s32 $0xFFFFFCC0  }
0x277: {  	_ =	swait.ge [sflag:s26], $0x340  }
0x278: {  	[sflag:s26] =	ssyncset.done $0x0  }
0x279: {  	[sflag:s26] =	ssyncadd.s32 $0xFFFFFCC0  }
0x27a: {  	_ =	swait.ge [sflag:s26], $0x340  }
0x27b: {  	[sflag:s26] =	ssyncset.done $0x0  }
0x27c: {  	[sflag:s26] =	ssyncadd.s32 $0xFFFFFCC0  }
0x27d: {  	_ =	swait.ge [sflag:s26], $0x340  }
0x27e: {  	[sflag:s26] =	ssyncset.done $0x0  }
0x27f: {  	[sflag:s26] =	ssyncadd.s32 $0xFFFFFCC0  }
0x280: {  	_ =	swait.ge [sflag:s26], $0x340  }
0x281: {  	[sflag:s26] =	ssyncset.done $0x0  }
0x282: {  	[sflag:s26] =	ssyncadd.s32 $0xFFFFFCC0  }
0x283: {  	_ =	swait.ge [sflag:s26], $0x340  }
0x284: {  	[sflag:s26] =	ssyncset.done $0x0  }
0x285: {  	[sflag:s26] =	ssyncadd.s32 $0xFFFFFCC0  }
0x286: {  	_ =	swait.ge [sflag:s26], $0x340  }
0x287: {  	[sflag:s26] =	ssyncset.done $0x0  }
0x288: {  	[sflag:s26] =	ssyncadd.s32 $0xFFFFFCC0  }
0x289: {  	_ =	swait.ge [sflag:s26], $0x340  }
0x28a: {  	[sflag:s26] =	ssyncset.done $0x0  }
0x28b: {  	[sflag:s26] =	ssyncadd.s32 $0xFFFFFCC0  }
0x28c: {  	_ =	swait.ge [sflag:s26], $0x340  }
0x28d: {  	[sflag:s26] =	ssyncset.done $0x0  }
0x28e: {  	[sflag:s26] =	ssyncadd.s32 $0xFFFFFCC0  }
0x28f: {  	_ =	swait.ge [sflag:s26], $0x340  }
0x290: {  	[sflag:s26] =	ssyncset.done $0x0  }
0x291: {  	[sflag:s26] =	ssyncadd.s32 $0xFFFFFCC0  }
0x292: {  	_ =	swait.ge [sflag:s26], $0x340  }
0x293: {  	[sflag:s26] =	ssyncset.done $0x0  }
0x294: {  	[sflag:s26] =	ssyncadd.s32 $0xFFFFFCC0  }
0x295: {  	_ =	swait.ge [sflag:s26], $0x340  }
0x296: {  	[sflag:s26] =	ssyncset.done $0x0  }
0x297: {  	s6 =	sadd.s32 $0x2700, s6;
	[sflag:s26] =	ssyncadd.s32 $0xFFFFFCC0  }
0x298: {  	[hbm4b:s6+s14] =	stream.linear.scatter [tilespmem:s18], [sflag:$0x8], $0x6800, $0x38;
	[tilespmem:$0x1E000] =	vst v63  }
0x299: {  	_ =	swait.ge [sflag:s28], $0x6800  }
0x29a: {  	[sflag:s28] =	ssyncset.done $0x0  }
0x29b: {  	s14 =	sadd.s32 $0x0, s0;
	s6 =	simm.s32 $0x80;
	[sflag:s28] =	ssyncadd.s32 $0xFFFF9800  }
0x29c: {  	[tilespmem:s21], [sflag:$0x1] =	stream.indirect.gather [hbm4b:s4+s13], $0x20, s14, s13, $0xb8;
	[tilespmem:$0x1E000] =	vst v63  }
.LBB2_3:
0x29d: {  	p0 =	sne.s32 s6, $0xF80  }
.Ltmp0:
0x29e: {  	_ = 	snop;
	(pc) =	sbr.rel @p0 .LBB2_3-.Ltmp0, $4  }
0x29f: {  	_ = 	snop  }
0x2a0: {  	s7 =	sshra.s32 s6, $0x2;
	s6 =	sadd.s32 $0x80, s6  }
0x2a1: {  	s21 =	sadd.s32 $0x340, s21;
	s7 =	sadd.s32 s7, s0  }
0x2a2: {  	[tilespmem:s21], [sflag:$0x1] =	stream.indirect.gather [hbm4b:s4+s13], $0x20, s7, s13, $0xb8;
	[tilespmem:$0x1E000] =	vst v63  }
0x2a3: {  	_ =	swait.ge [sflag:s29], $0x6800  }
0x2a4: {  	s6 =	simm.s32 $0xA800;
	[sflag:s29] =	ssyncset.done $0x0  }
0x2a5: {  	s7 =	sadd.s32 $0x0, s15;
	s14 =	simm.s32 $0x80;
	[sflag:s29] =	ssyncadd.s32 $0xFFFF9800  }
0x2a6: {  	[tilespmem:s6], [sflag:$0x2] =	stream.indirect.gather [hbm4b:s4+s13], $0x20, s7, s13, $0xb8;
	[tilespmem:$0x1E000] =	vst v63  }
.LBB2_5:
0x2a7: {  	p0 =	sne.s32 s14, $0xF80  }
.Ltmp1:
0x2a8: {  	_ = 	snop;
	(pc) =	sbr.rel @p0 .LBB2_5-.Ltmp1, $4  }
0x2a9: {  	_ = 	snop  }
0x2aa: {  	s7 =	sshra.s32 s14, $0x2;
	s14 =	sadd.s32 $0x80, s14  }
0x2ab: {  	s6 =	sadd.s32 $0x340, s6;
	s7 =	sadd.s32 s7, s15  }
0x2ac: {  	[tilespmem:s6], [sflag:$0x2] =	stream.indirect.gather [hbm4b:s4+s13], $0x20, s7, s13, $0xb8;
	[tilespmem:$0x1E000] =	vst v63  }
0x2ad: {  	_ =	swait.ge [sflag:s30], $0x6800  }
0x2ae: {  	s6 =	simm.s32 $0x11000;
	[sflag:s30] =	ssyncset.done $0x0  }
0x2af: {  	s7 =	sadd.s32 $0x0, s16;
	s14 =	simm.s32 $0x80;
	[sflag:s30] =	ssyncadd.s32 $0xFFFF9800  }
0x2b0: {  	[tilespmem:s6], [sflag:$0x3] =	stream.indirect.gather [hbm4b:s4+s13], $0x20, s7, s13, $0xb8;
	[tilespmem:$0x1E000] =	vst v63  }
.LBB2_7:
0x2b1: {  	p0 =	sne.s32 s14, $0xF80  }
.Ltmp2:
0x2b2: {  	_ = 	snop;
	(pc) =	sbr.rel @p0 .LBB2_7-.Ltmp2, $4  }
0x2b3: {  	_ = 	snop  }
0x2b4: {  	s7 =	sshra.s32 s14, $0x2;
	s14 =	sadd.s32 $0x80, s14  }
0x2b5: {  	s6 =	sadd.s32 $0x340, s6;
	s7 =	sadd.s32 s7, s16  }
0x2b6: {  	[tilespmem:s6], [sflag:$0x3] =	stream.indirect.gather [hbm4b:s4+s13], $0x20, s7, s13, $0xb8;
	[tilespmem:$0x1E000] =	vst v63  }
0x2b7: {  	_ =	swait.ge [sflag:s31], $0x6800  }
0x2b8: {  	s6 =	simm.s32 $0x17800;
	[sflag:s31] =	ssyncset.done $0x0  }
0x2b9: {  	s7 =	sadd.s32 $0x0, s17;
	s14 =	simm.s32 $0x80;
	[sflag:s31] =	ssyncadd.s32 $0xFFFF9800  }
0x2ba: {  	[tilespmem:s6], [sflag:$0x4] =	stream.indirect.gather [hbm4b:s4+s13], $0x20, s7, s13, $0xb8;
	[tilespmem:$0x1E000] =	vst v63  }
.LBB2_9:
0x2bb: {  	p0 =	sne.s32 s14, $0xF80  }
.Ltmp3:
0x2bc: {  	_ = 	snop;
	(pc) =	sbr.rel @p0 .LBB2_9-.Ltmp3, $4  }
0x2bd: {  	_ = 	snop  }
0x2be: {  	s7 =	sshra.s32 s14, $0x2;
	s14 =	sadd.s32 $0x80, s14  }
0x2bf: {  	s6 =	sadd.s32 $0x340, s6;
	s7 =	sadd.s32 s7, s17  }
0x2c0: {  	[tilespmem:s6], [sflag:$0x4] =	stream.indirect.gather [hbm4b:s4+s13], $0x20, s7, s13, $0xb8;
	[tilespmem:$0x1E000] =	vst v63  }
0x2c1: {  	s20 =	sadd.s32 $0x1, s20  }
0x2c2: {  	p0 =	sne.s32 s20, $0x3  }
.Ltmp4:
0x2c3: {  	_ = 	snop;
	(pc) =	sbr.rel @p0 .LBB2_2-.Ltmp4, $3  }
0x2c4: {  	_ =	sdelay $0x1  }
0x2c5: {  	s0 =	sadd.s32 $0x1000, s0  }
0x2c6: {  	s15 =	sadd.s32 $0x1000, s15;
	s16 =	sadd.s32 $0x1000, s16;
	s17 =	sadd.s32 $0x1000, s17  }
0x2c7: {  	_ =	swait.ge [sflag:s22], $0x340  }
0x2c8: {  	[sflag:s22] =	ssyncset.done $0x0  }
0x2c9: {  	[sflag:s22] =	ssyncadd.s32 $0xFFFFFCC0  }
0x2ca: {  	_ =	swait.ge [sflag:s22], $0x340  }
0x2cb: {  	[sflag:s22] =	ssyncset.done $0x0  }
0x2cc: {  	[sflag:s22] =	ssyncadd.s32 $0xFFFFFCC0  }
0x2cd: {  	_ =	swait.ge [sflag:s22], $0x340  }
0x2ce: {  	[sflag:s22] =	ssyncset.done $0x0  }
0x2cf: {  	[sflag:s22] =	ssyncadd.s32 $0xFFFFFCC0  }
0x2d0: {  	_ =	swait.ge [sflag:s22], $0x340  }
0x2d1: {  	[sflag:s22] =	ssyncset.done $0x0  }
0x2d2: {  	[sflag:s22] =	ssyncadd.s32 $0xFFFFFCC0  }
0x2d3: {  	_ =	swait.ge [sflag:s22], $0x340  }
0x2d4: {  	[sflag:s22] =	ssyncset.done $0x0  }
0x2d5: {  	[sflag:s22] =	ssyncadd.s32 $0xFFFFFCC0  }
0x2d6: {  	_ =	swait.ge [sflag:s22], $0x340  }
0x2d7: {  	[sflag:s22] =	ssyncset.done $0x0  }
0x2d8: {  	[sflag:s22] =	ssyncadd.s32 $0xFFFFFCC0  }
0x2d9: {  	_ =	swait.ge [sflag:s22], $0x340  }
0x2da: {  	[sflag:s22] =	ssyncset.done $0x0  }
0x2db: {  	[sflag:s22] =	ssyncadd.s32 $0xFFFFFCC0  }
0x2dc: {  	_ =	swait.ge [sflag:s22], $0x340  }
0x2dd: {  	[sflag:s22] =	ssyncset.done $0x0  }
0x2de: {  	[sflag:s22] =	ssyncadd.s32 $0xFFFFFCC0  }
0x2df: {  	_ =	swait.ge [sflag:s22], $0x340  }
0x2e0: {  	[sflag:s22] =	ssyncset.done $0x0  }
0x2e1: {  	[sflag:s22] =	ssyncadd.s32 $0xFFFFFCC0  }
0x2e2: {  	_ =	swait.ge [sflag:s22], $0x340  }
0x2e3: {  	[sflag:s22] =	ssyncset.done $0x0  }
0x2e4: {  	[sflag:s22] =	ssyncadd.s32 $0xFFFFFCC0  }
0x2e5: {  	_ =	swait.ge [sflag:s22], $0x340  }
0x2e6: {  	[sflag:s22] =	ssyncset.done $0x0  }
0x2e7: {  	[sflag:s22] =	ssyncadd.s32 $0xFFFFFCC0  }
0x2e8: {  	_ =	swait.ge [sflag:s22], $0x340  }
0x2e9: {  	[sflag:s22] =	ssyncset.done $0x0  }
0x2ea: {  	[sflag:s22] =	ssyncadd.s32 $0xFFFFFCC0  }
0x2eb: {  	_ =	swait.ge [sflag:s22], $0x340  }
0x2ec: {  	[sflag:s22] =	ssyncset.done $0x0  }
0x2ed: {  	[sflag:s22] =	ssyncadd.s32 $0xFFFFFCC0  }
0x2ee: {  	_ =	swait.ge [sflag:s22], $0x340  }
0x2ef: {  	[sflag:s22] =	ssyncset.done $0x0  }
0x2f0: {  	[sflag:s22] =	ssyncadd.s32 $0xFFFFFCC0  }
0x2f1: {  	_ =	swait.ge [sflag:s22], $0x340  }
0x2f2: {  	[sflag:s22] =	ssyncset.done $0x0  }
0x2f3: {  	[sflag:s22] =	ssyncadd.s32 $0xFFFFFCC0  }
0x2f4: {  	_ =	swait.ge [sflag:s22], $0x340  }
0x2f5: {  	[sflag:s22] =	ssyncset.done $0x0  }
0x2f6: {  	[sflag:s22] =	ssyncadd.s32 $0xFFFFFCC0  }
0x2f7: {  	_ =	swait.ge [sflag:s22], $0x340  }
0x2f8: {  	[sflag:s22] =	ssyncset.done $0x0  }
0x2f9: {  	[sflag:s22] =	ssyncadd.s32 $0xFFFFFCC0  }
0x2fa: {  	_ =	swait.ge [sflag:s22], $0x340  }
0x2fb: {  	[sflag:s22] =	ssyncset.done $0x0  }
0x2fc: {  	[sflag:s22] =	ssyncadd.s32 $0xFFFFFCC0  }
0x2fd: {  	_ =	swait.ge [sflag:s22], $0x340  }
0x2fe: {  	[sflag:s22] =	ssyncset.done $0x0  }
0x2ff: {  	[sflag:s22] =	ssyncadd.s32 $0xFFFFFCC0  }
0x300: {  	_ =	swait.ge [sflag:s22], $0x340  }
0x301: {  	[sflag:s22] =	ssyncset.done $0x0  }
0x302: {  	[sflag:s22] =	ssyncadd.s32 $0xFFFFFCC0  }
0x303: {  	_ =	swait.ge [sflag:s22], $0x340  }
0x304: {  	[sflag:s22] =	ssyncset.done $0x0  }
0x305: {  	[sflag:s22] =	ssyncadd.s32 $0xFFFFFCC0  }
0x306: {  	_ =	swait.ge [sflag:s22], $0x340  }
0x307: {  	[sflag:s22] =	ssyncset.done $0x0  }
0x308: {  	[sflag:s22] =	ssyncadd.s32 $0xFFFFFCC0  }
0x309: {  	_ =	swait.ge [sflag:s22], $0x340  }
0x30a: {  	[sflag:s22] =	ssyncset.done $0x0  }
0x30b: {  	[sflag:s22] =	ssyncadd.s32 $0xFFFFFCC0  }
0x30c: {  	_ =	swait.ge [sflag:s22], $0x340  }
0x30d: {  	[sflag:s22] =	ssyncset.done $0x0  }
0x30e: {  	[sflag:s22] =	ssyncadd.s32 $0xFFFFFCC0  }
0x30f: {  	_ =	swait.ge [sflag:s22], $0x340  }
0x310: {  	[sflag:s22] =	ssyncset.done $0x0  }
0x311: {  	[sflag:s22] =	ssyncadd.s32 $0xFFFFFCC0  }
0x312: {  	_ =	swait.ge [sflag:s22], $0x340  }
0x313: {  	[sflag:s22] =	ssyncset.done $0x0  }
0x314: {  	[sflag:s22] =	ssyncadd.s32 $0xFFFFFCC0  }
0x315: {  	_ =	swait.ge [sflag:s22], $0x340  }
0x316: {  	[sflag:s22] =	ssyncset.done $0x0  }
0x317: {  	[sflag:s22] =	ssyncadd.s32 $0xFFFFFCC0  }
0x318: {  	_ =	swait.ge [sflag:s22], $0x340  }
0x319: {  	[sflag:s22] =	ssyncset.done $0x0  }
0x31a: {  	[sflag:s22] =	ssyncadd.s32 $0xFFFFFCC0  }
0x31b: {  	_ =	swait.ge [sflag:s22], $0x340  }
0x31c: {  	[sflag:s22] =	ssyncset.done $0x0  }
0x31d: {  	[sflag:s22] =	ssyncadd.s32 $0xFFFFFCC0  }
0x31e: {  	_ =	swait.ge [sflag:s22], $0x340  }
0x31f: {  	[sflag:s22] =	ssyncset.done $0x0  }
0x320: {  	[sflag:s22] =	ssyncadd.s32 $0xFFFFFCC0  }
0x321: {  	_ =	swait.ge [sflag:s22], $0x340  }
0x322: {  	[sflag:s22] =	ssyncset.done $0x0  }
0x323: {  	[sflag:s22] =	ssyncadd.s32 $0xFFFFFCC0  }
0x324: {  	_ =	swait.ge [sflag:s22], $0x340  }
0x325: {  	[sflag:s22] =	ssyncset.done $0x0  }
0x326: {  	s6 =	simm.s32 $0x4000;
	s0 =	rddreg [dreg:$0x4];
	[sflag:s22] =	ssyncadd.s32 $0xFFFFFCC0  }
0x327: {  	[hbm4b:s0+s3] =	stream.linear.scatter [tilespmem:s6], [sflag:$0x5], $0x6800, $0x38;
	[tilespmem:$0x1E000] =	vst v63  }
0x328: {  	_ =	swait.ge [sflag:s23], $0x340  }
0x329: {  	[sflag:s23] =	ssyncset.done $0x0  }
0x32a: {  	[sflag:s23] =	ssyncadd.s32 $0xFFFFFCC0  }
0x32b: {  	_ =	swait.ge [sflag:s23], $0x340  }
0x32c: {  	[sflag:s23] =	ssyncset.done $0x0  }
0x32d: {  	[sflag:s23] =	ssyncadd.s32 $0xFFFFFCC0  }
0x32e: {  	_ =	swait.ge [sflag:s23], $0x340  }
0x32f: {  	[sflag:s23] =	ssyncset.done $0x0  }
0x330: {  	[sflag:s23] =	ssyncadd.s32 $0xFFFFFCC0  }
0x331: {  	_ =	swait.ge [sflag:s23], $0x340  }
0x332: {  	[sflag:s23] =	ssyncset.done $0x0  }
0x333: {  	[sflag:s23] =	ssyncadd.s32 $0xFFFFFCC0  }
0x334: {  	_ =	swait.ge [sflag:s23], $0x340  }
0x335: {  	[sflag:s23] =	ssyncset.done $0x0  }
0x336: {  	[sflag:s23] =	ssyncadd.s32 $0xFFFFFCC0  }
0x337: {  	_ =	swait.ge [sflag:s23], $0x340  }
0x338: {  	[sflag:s23] =	ssyncset.done $0x0  }
0x339: {  	[sflag:s23] =	ssyncadd.s32 $0xFFFFFCC0  }
0x33a: {  	_ =	swait.ge [sflag:s23], $0x340  }
0x33b: {  	[sflag:s23] =	ssyncset.done $0x0  }
0x33c: {  	[sflag:s23] =	ssyncadd.s32 $0xFFFFFCC0  }
0x33d: {  	_ =	swait.ge [sflag:s23], $0x340  }
0x33e: {  	[sflag:s23] =	ssyncset.done $0x0  }
0x33f: {  	[sflag:s23] =	ssyncadd.s32 $0xFFFFFCC0  }
0x340: {  	_ =	swait.ge [sflag:s23], $0x340  }
0x341: {  	[sflag:s23] =	ssyncset.done $0x0  }
0x342: {  	[sflag:s23] =	ssyncadd.s32 $0xFFFFFCC0  }
0x343: {  	_ =	swait.ge [sflag:s23], $0x340  }
0x344: {  	[sflag:s23] =	ssyncset.done $0x0  }
0x345: {  	[sflag:s23] =	ssyncadd.s32 $0xFFFFFCC0  }
0x346: {  	_ =	swait.ge [sflag:s23], $0x340  }
0x347: {  	[sflag:s23] =	ssyncset.done $0x0  }
0x348: {  	[sflag:s23] =	ssyncadd.s32 $0xFFFFFCC0  }
0x349: {  	_ =	swait.ge [sflag:s23], $0x340  }
0x34a: {  	[sflag:s23] =	ssyncset.done $0x0  }
0x34b: {  	[sflag:s23] =	ssyncadd.s32 $0xFFFFFCC0  }
0x34c: {  	_ =	swait.ge [sflag:s23], $0x340  }
0x34d: {  	[sflag:s23] =	ssyncset.done $0x0  }
0x34e: {  	[sflag:s23] =	ssyncadd.s32 $0xFFFFFCC0  }
0x34f: {  	_ =	swait.ge [sflag:s23], $0x340  }
0x350: {  	[sflag:s23] =	ssyncset.done $0x0  }
0x351: {  	[sflag:s23] =	ssyncadd.s32 $0xFFFFFCC0  }
0x352: {  	_ =	swait.ge [sflag:s23], $0x340  }
0x353: {  	[sflag:s23] =	ssyncset.done $0x0  }
0x354: {  	[sflag:s23] =	ssyncadd.s32 $0xFFFFFCC0  }
0x355: {  	_ =	swait.ge [sflag:s23], $0x340  }
0x356: {  	[sflag:s23] =	ssyncset.done $0x0  }
0x357: {  	[sflag:s23] =	ssyncadd.s32 $0xFFFFFCC0  }
0x358: {  	_ =	swait.ge [sflag:s23], $0x340  }
0x359: {  	[sflag:s23] =	ssyncset.done $0x0  }
0x35a: {  	[sflag:s23] =	ssyncadd.s32 $0xFFFFFCC0  }
0x35b: {  	_ =	swait.ge [sflag:s23], $0x340  }
0x35c: {  	[sflag:s23] =	ssyncset.done $0x0  }
0x35d: {  	[sflag:s23] =	ssyncadd.s32 $0xFFFFFCC0  }
0x35e: {  	_ =	swait.ge [sflag:s23], $0x340  }
0x35f: {  	[sflag:s23] =	ssyncset.done $0x0  }
0x360: {  	[sflag:s23] =	ssyncadd.s32 $0xFFFFFCC0  }
0x361: {  	_ =	swait.ge [sflag:s23], $0x340  }
0x362: {  	[sflag:s23] =	ssyncset.done $0x0  }
0x363: {  	[sflag:s23] =	ssyncadd.s32 $0xFFFFFCC0  }
0x364: {  	_ =	swait.ge [sflag:s23], $0x340  }
0x365: {  	[sflag:s23] =	ssyncset.done $0x0  }
0x366: {  	[sflag:s23] =	ssyncadd.s32 $0xFFFFFCC0  }
0x367: {  	_ =	swait.ge [sflag:s23], $0x340  }
0x368: {  	[sflag:s23] =	ssyncset.done $0x0  }
0x369: {  	[sflag:s23] =	ssyncadd.s32 $0xFFFFFCC0  }
0x36a: {  	_ =	swait.ge [sflag:s23], $0x340  }
0x36b: {  	[sflag:s23] =	ssyncset.done $0x0  }
0x36c: {  	[sflag:s23] =	ssyncadd.s32 $0xFFFFFCC0  }
0x36d: {  	_ =	swait.ge [sflag:s23], $0x340  }
0x36e: {  	[sflag:s23] =	ssyncset.done $0x0  }
0x36f: {  	[sflag:s23] =	ssyncadd.s32 $0xFFFFFCC0  }
0x370: {  	_ =	swait.ge [sflag:s23], $0x340  }
0x371: {  	[sflag:s23] =	ssyncset.done $0x0  }
0x372: {  	[sflag:s23] =	ssyncadd.s32 $0xFFFFFCC0  }
0x373: {  	_ =	swait.ge [sflag:s23], $0x340  }
0x374: {  	[sflag:s23] =	ssyncset.done $0x0  }
0x375: {  	[sflag:s23] =	ssyncadd.s32 $0xFFFFFCC0  }
0x376: {  	_ =	swait.ge [sflag:s23], $0x340  }
0x377: {  	[sflag:s23] =	ssyncset.done $0x0  }
0x378: {  	[sflag:s23] =	ssyncadd.s32 $0xFFFFFCC0  }
0x379: {  	_ =	swait.ge [sflag:s23], $0x340  }
0x37a: {  	[sflag:s23] =	ssyncset.done $0x0  }
0x37b: {  	[sflag:s23] =	ssyncadd.s32 $0xFFFFFCC0  }
0x37c: {  	_ =	swait.ge [sflag:s23], $0x340  }
0x37d: {  	[sflag:s23] =	ssyncset.done $0x0  }
0x37e: {  	[sflag:s23] =	ssyncadd.s32 $0xFFFFFCC0  }
0x37f: {  	_ =	swait.ge [sflag:s23], $0x340  }
0x380: {  	[sflag:s23] =	ssyncset.done $0x0  }
0x381: {  	[sflag:s23] =	ssyncadd.s32 $0xFFFFFCC0  }
0x382: {  	_ =	swait.ge [sflag:s23], $0x340  }
0x383: {  	[sflag:s23] =	ssyncset.done $0x0  }
0x384: {  	[sflag:s23] =	ssyncadd.s32 $0xFFFFFCC0  }
0x385: {  	_ =	swait.ge [sflag:s23], $0x340  }
0x386: {  	[sflag:s23] =	ssyncset.done $0x0  }
0x387: {  	[sflag:s23] =	ssyncadd.s32 $0xFFFFFCC0  }
0x388: {  	[hbm4b:s8+s3] =	stream.linear.scatter [tilespmem:s24], [sflag:$0x6], $0x6800, $0x38;
	[tilespmem:$0x1E000] =	vst v63  }
0x389: {  	_ =	swait.ge [sflag:s25], $0x340  }
0x38a: {  	[sflag:s25] =	ssyncset.done $0x0  }
0x38b: {  	[sflag:s25] =	ssyncadd.s32 $0xFFFFFCC0  }
0x38c: {  	_ =	swait.ge [sflag:s25], $0x340  }
0x38d: {  	[sflag:s25] =	ssyncset.done $0x0  }
0x38e: {  	[sflag:s25] =	ssyncadd.s32 $0xFFFFFCC0  }
0x38f: {  	_ =	swait.ge [sflag:s25], $0x340  }
0x390: {  	[sflag:s25] =	ssyncset.done $0x0  }
0x391: {  	[sflag:s25] =	ssyncadd.s32 $0xFFFFFCC0  }
0x392: {  	_ =	swait.ge [sflag:s25], $0x340  }
0x393: {  	[sflag:s25] =	ssyncset.done $0x0  }
0x394: {  	[sflag:s25] =	ssyncadd.s32 $0xFFFFFCC0  }
0x395: {  	_ =	swait.ge [sflag:s25], $0x340  }
0x396: {  	[sflag:s25] =	ssyncset.done $0x0  }
0x397: {  	[sflag:s25] =	ssyncadd.s32 $0xFFFFFCC0  }
0x398: {  	_ =	swait.ge [sflag:s25], $0x340  }
0x399: {  	[sflag:s25] =	ssyncset.done $0x0  }
0x39a: {  	[sflag:s25] =	ssyncadd.s32 $0xFFFFFCC0  }
0x39b: {  	_ =	swait.ge [sflag:s25], $0x340  }
0x39c: {  	[sflag:s25] =	ssyncset.done $0x0  }
0x39d: {  	[sflag:s25] =	ssyncadd.s32 $0xFFFFFCC0  }
0x39e: {  	_ =	swait.ge [sflag:s25], $0x340  }
0x39f: {  	[sflag:s25] =	ssyncset.done $0x0  }
0x3a0: {  	[sflag:s25] =	ssyncadd.s32 $0xFFFFFCC0  }
0x3a1: {  	_ =	swait.ge [sflag:s25], $0x340  }
0x3a2: {  	[sflag:s25] =	ssyncset.done $0x0  }
0x3a3: {  	[sflag:s25] =	ssyncadd.s32 $0xFFFFFCC0  }
0x3a4: {  	_ =	swait.ge [sflag:s25], $0x340  }
0x3a5: {  	[sflag:s25] =	ssyncset.done $0x0  }
0x3a6: {  	[sflag:s25] =	ssyncadd.s32 $0xFFFFFCC0  }
0x3a7: {  	_ =	swait.ge [sflag:s25], $0x340  }
0x3a8: {  	[sflag:s25] =	ssyncset.done $0x0  }
0x3a9: {  	[sflag:s25] =	ssyncadd.s32 $0xFFFFFCC0  }
0x3aa: {  	_ =	swait.ge [sflag:s25], $0x340  }
0x3ab: {  	[sflag:s25] =	ssyncset.done $0x0  }
0x3ac: {  	[sflag:s25] =	ssyncadd.s32 $0xFFFFFCC0  }
0x3ad: {  	_ =	swait.ge [sflag:s25], $0x340  }
0x3ae: {  	[sflag:s25] =	ssyncset.done $0x0  }
0x3af: {  	[sflag:s25] =	ssyncadd.s32 $0xFFFFFCC0  }
0x3b0: {  	_ =	swait.ge [sflag:s25], $0x340  }
0x3b1: {  	[sflag:s25] =	ssyncset.done $0x0  }
0x3b2: {  	[sflag:s25] =	ssyncadd.s32 $0xFFFFFCC0  }
0x3b3: {  	_ =	swait.ge [sflag:s25], $0x340  }
0x3b4: {  	[sflag:s25] =	ssyncset.done $0x0  }
0x3b5: {  	[sflag:s25] =	ssyncadd.s32 $0xFFFFFCC0  }
0x3b6: {  	_ =	swait.ge [sflag:s25], $0x340  }
0x3b7: {  	[sflag:s25] =	ssyncset.done $0x0  }
0x3b8: {  	[sflag:s25] =	ssyncadd.s32 $0xFFFFFCC0  }
0x3b9: {  	_ =	swait.ge [sflag:s25], $0x340  }
0x3ba: {  	[sflag:s25] =	ssyncset.done $0x0  }
0x3bb: {  	[sflag:s25] =	ssyncadd.s32 $0xFFFFFCC0  }
0x3bc: {  	_ =	swait.ge [sflag:s25], $0x340  }
0x3bd: {  	[sflag:s25] =	ssyncset.done $0x0  }
0x3be: {  	[sflag:s25] =	ssyncadd.s32 $0xFFFFFCC0  }
0x3bf: {  	_ =	swait.ge [sflag:s25], $0x340  }
0x3c0: {  	[sflag:s25] =	ssyncset.done $0x0  }
0x3c1: {  	[sflag:s25] =	ssyncadd.s32 $0xFFFFFCC0  }
0x3c2: {  	_ =	swait.ge [sflag:s25], $0x340  }
0x3c3: {  	[sflag:s25] =	ssyncset.done $0x0  }
0x3c4: {  	[sflag:s25] =	ssyncadd.s32 $0xFFFFFCC0  }
0x3c5: {  	_ =	swait.ge [sflag:s25], $0x340  }
0x3c6: {  	[sflag:s25] =	ssyncset.done $0x0  }
0x3c7: {  	[sflag:s25] =	ssyncadd.s32 $0xFFFFFCC0  }
0x3c8: {  	_ =	swait.ge [sflag:s25], $0x340  }
0x3c9: {  	[sflag:s25] =	ssyncset.done $0x0  }
0x3ca: {  	[sflag:s25] =	ssyncadd.s32 $0xFFFFFCC0  }
0x3cb: {  	_ =	swait.ge [sflag:s25], $0x340  }
0x3cc: {  	[sflag:s25] =	ssyncset.done $0x0  }
0x3cd: {  	[sflag:s25] =	ssyncadd.s32 $0xFFFFFCC0  }
0x3ce: {  	_ =	swait.ge [sflag:s25], $0x340  }
0x3cf: {  	[sflag:s25] =	ssyncset.done $0x0  }
0x3d0: {  	[sflag:s25] =	ssyncadd.s32 $0xFFFFFCC0  }
0x3d1: {  	_ =	swait.ge [sflag:s25], $0x340  }
0x3d2: {  	[sflag:s25] =	ssyncset.done $0x0  }
0x3d3: {  	[sflag:s25] =	ssyncadd.s32 $0xFFFFFCC0  }
0x3d4: {  	_ =	swait.ge [sflag:s25], $0x340  }
0x3d5: {  	[sflag:s25] =	ssyncset.done $0x0  }
0x3d6: {  	[sflag:s25] =	ssyncadd.s32 $0xFFFFFCC0  }
0x3d7: {  	_ =	swait.ge [sflag:s25], $0x340  }
0x3d8: {  	[sflag:s25] =	ssyncset.done $0x0  }
0x3d9: {  	[sflag:s25] =	ssyncadd.s32 $0xFFFFFCC0  }
0x3da: {  	_ =	swait.ge [sflag:s25], $0x340  }
0x3db: {  	[sflag:s25] =	ssyncset.done $0x0  }
0x3dc: {  	[sflag:s25] =	ssyncadd.s32 $0xFFFFFCC0  }
0x3dd: {  	_ =	swait.ge [sflag:s25], $0x340  }
0x3de: {  	[sflag:s25] =	ssyncset.done $0x0  }
0x3df: {  	[sflag:s25] =	ssyncadd.s32 $0xFFFFFCC0  }
0x3e0: {  	_ =	swait.ge [sflag:s25], $0x340  }
0x3e1: {  	[sflag:s25] =	ssyncset.done $0x0  }
0x3e2: {  	[sflag:s25] =	ssyncadd.s32 $0xFFFFFCC0  }
0x3e3: {  	_ =	swait.ge [sflag:s25], $0x340  }
0x3e4: {  	[sflag:s25] =	ssyncset.done $0x0  }
0x3e5: {  	[sflag:s25] =	ssyncadd.s32 $0xFFFFFCC0  }
0x3e6: {  	_ =	swait.ge [sflag:s25], $0x340  }
0x3e7: {  	[sflag:s25] =	ssyncset.done $0x0  }
0x3e8: {  	[sflag:s25] =	ssyncadd.s32 $0xFFFFFCC0  }
0x3e9: {  	[hbm4b:s9+s3] =	stream.linear.scatter [tilespmem:s19], [sflag:$0x7], $0x6800, $0x38;
	[tilespmem:$0x1E000] =	vst v63  }
0x3ea: {  	_ =	swait.ge [sflag:s26], $0x340  }
0x3eb: {  	[sflag:s26] =	ssyncset.done $0x0  }
0x3ec: {  	[sflag:s26] =	ssyncadd.s32 $0xFFFFFCC0  }
0x3ed: {  	_ =	swait.ge [sflag:s26], $0x340  }
0x3ee: {  	[sflag:s26] =	ssyncset.done $0x0  }
0x3ef: {  	[sflag:s26] =	ssyncadd.s32 $0xFFFFFCC0  }
0x3f0: {  	_ =	swait.ge [sflag:s26], $0x340  }
0x3f1: {  	[sflag:s26] =	ssyncset.done $0x0  }
0x3f2: {  	[sflag:s26] =	ssyncadd.s32 $0xFFFFFCC0  }
0x3f3: {  	_ =	swait.ge [sflag:s26], $0x340  }
0x3f4: {  	[sflag:s26] =	ssyncset.done $0x0  }
0x3f5: {  	[sflag:s26] =	ssyncadd.s32 $0xFFFFFCC0  }
0x3f6: {  	_ =	swait.ge [sflag:s26], $0x340  }
0x3f7: {  	[sflag:s26] =	ssyncset.done $0x0  }
0x3f8: {  	[sflag:s26] =	ssyncadd.s32 $0xFFFFFCC0  }
0x3f9: {  	_ =	swait.ge [sflag:s26], $0x340  }
0x3fa: {  	[sflag:s26] =	ssyncset.done $0x0  }
0x3fb: {  	[sflag:s26] =	ssyncadd.s32 $0xFFFFFCC0  }
0x3fc: {  	_ =	swait.ge [sflag:s26], $0x340  }
0x3fd: {  	[sflag:s26] =	ssyncset.done $0x0  }
0x3fe: {  	[sflag:s26] =	ssyncadd.s32 $0xFFFFFCC0  }
0x3ff: {  	_ =	swait.ge [sflag:s26], $0x340  }
0x400: {  	[sflag:s26] =	ssyncset.done $0x0  }
0x401: {  	[sflag:s26] =	ssyncadd.s32 $0xFFFFFCC0  }
0x402: {  	_ =	swait.ge [sflag:s26], $0x340  }
0x403: {  	[sflag:s26] =	ssyncset.done $0x0  }
0x404: {  	[sflag:s26] =	ssyncadd.s32 $0xFFFFFCC0  }
0x405: {  	_ =	swait.ge [sflag:s26], $0x340  }
0x406: {  	[sflag:s26] =	ssyncset.done $0x0  }
0x407: {  	[sflag:s26] =	ssyncadd.s32 $0xFFFFFCC0  }
0x408: {  	_ =	swait.ge [sflag:s26], $0x340  }
0x409: {  	[sflag:s26] =	ssyncset.done $0x0  }
0x40a: {  	[sflag:s26] =	ssyncadd.s32 $0xFFFFFCC0  }
0x40b: {  	_ =	swait.ge [sflag:s26], $0x340  }
0x40c: {  	[sflag:s26] =	ssyncset.done $0x0  }
0x40d: {  	[sflag:s26] =	ssyncadd.s32 $0xFFFFFCC0  }
0x40e: {  	_ =	swait.ge [sflag:s26], $0x340  }
0x40f: {  	[sflag:s26] =	ssyncset.done $0x0  }
0x410: {  	[sflag:s26] =	ssyncadd.s32 $0xFFFFFCC0  }
0x411: {  	_ =	swait.ge [sflag:s26], $0x340  }
0x412: {  	[sflag:s26] =	ssyncset.done $0x0  }
0x413: {  	[sflag:s26] =	ssyncadd.s32 $0xFFFFFCC0  }
0x414: {  	_ =	swait.ge [sflag:s26], $0x340  }
0x415: {  	[sflag:s26] =	ssyncset.done $0x0  }
0x416: {  	[sflag:s26] =	ssyncadd.s32 $0xFFFFFCC0  }
0x417: {  	_ =	swait.ge [sflag:s26], $0x340  }
0x418: {  	[sflag:s26] =	ssyncset.done $0x0  }
0x419: {  	[sflag:s26] =	ssyncadd.s32 $0xFFFFFCC0  }
0x41a: {  	_ =	swait.ge [sflag:s26], $0x340  }
0x41b: {  	[sflag:s26] =	ssyncset.done $0x0  }
0x41c: {  	[sflag:s26] =	ssyncadd.s32 $0xFFFFFCC0  }
0x41d: {  	_ =	swait.ge [sflag:s26], $0x340  }
0x41e: {  	[sflag:s26] =	ssyncset.done $0x0  }
0x41f: {  	[sflag:s26] =	ssyncadd.s32 $0xFFFFFCC0  }
0x420: {  	_ =	swait.ge [sflag:s26], $0x340  }
0x421: {  	[sflag:s26] =	ssyncset.done $0x0  }
0x422: {  	[sflag:s26] =	ssyncadd.s32 $0xFFFFFCC0  }
0x423: {  	_ =	swait.ge [sflag:s26], $0x340  }
0x424: {  	[sflag:s26] =	ssyncset.done $0x0  }
0x425: {  	[sflag:s26] =	ssyncadd.s32 $0xFFFFFCC0  }
0x426: {  	_ =	swait.ge [sflag:s26], $0x340  }
0x427: {  	[sflag:s26] =	ssyncset.done $0x0  }
0x428: {  	[sflag:s26] =	ssyncadd.s32 $0xFFFFFCC0  }
0x429: {  	_ =	swait.ge [sflag:s26], $0x340  }
0x42a: {  	[sflag:s26] =	ssyncset.done $0x0  }
0x42b: {  	[sflag:s26] =	ssyncadd.s32 $0xFFFFFCC0  }
0x42c: {  	_ =	swait.ge [sflag:s26], $0x340  }
0x42d: {  	[sflag:s26] =	ssyncset.done $0x0  }
0x42e: {  	[sflag:s26] =	ssyncadd.s32 $0xFFFFFCC0  }
0x42f: {  	_ =	swait.ge [sflag:s26], $0x340  }
0x430: {  	[sflag:s26] =	ssyncset.done $0x0  }
0x431: {  	[sflag:s26] =	ssyncadd.s32 $0xFFFFFCC0  }
0x432: {  	_ =	swait.ge [sflag:s26], $0x340  }
0x433: {  	[sflag:s26] =	ssyncset.done $0x0  }
0x434: {  	[sflag:s26] =	ssyncadd.s32 $0xFFFFFCC0  }
0x435: {  	_ =	swait.ge [sflag:s26], $0x340  }
0x436: {  	[sflag:s26] =	ssyncset.done $0x0  }
0x437: {  	[sflag:s26] =	ssyncadd.s32 $0xFFFFFCC0  }
0x438: {  	_ =	swait.ge [sflag:s26], $0x340  }
0x439: {  	[sflag:s26] =	ssyncset.done $0x0  }
0x43a: {  	[sflag:s26] =	ssyncadd.s32 $0xFFFFFCC0  }
0x43b: {  	_ =	swait.ge [sflag:s26], $0x340  }
0x43c: {  	[sflag:s26] =	ssyncset.done $0x0  }
0x43d: {  	[sflag:s26] =	ssyncadd.s32 $0xFFFFFCC0  }
0x43e: {  	_ =	swait.ge [sflag:s26], $0x340  }
0x43f: {  	[sflag:s26] =	ssyncset.done $0x0  }
0x440: {  	[sflag:s26] =	ssyncadd.s32 $0xFFFFFCC0  }
0x441: {  	_ =	swait.ge [sflag:s26], $0x340  }
0x442: {  	[sflag:s26] =	ssyncset.done $0x0  }
0x443: {  	[sflag:s26] =	ssyncadd.s32 $0xFFFFFCC0  }
0x444: {  	_ =	swait.ge [sflag:s26], $0x340  }
0x445: {  	[sflag:s26] =	ssyncset.done $0x0  }
0x446: {  	[sflag:s26] =	ssyncadd.s32 $0xFFFFFCC0  }
0x447: {  	_ =	swait.ge [sflag:s26], $0x340  }
0x448: {  	[sflag:s26] =	ssyncset.done $0x0  }
0x449: {  	[sflag:s26] =	ssyncadd.s32 $0xFFFFFCC0  }
0x44a: {  	[hbm4b:s10+s3] =	stream.linear.scatter [tilespmem:s18], [sflag:$0x8], $0x6800, $0x38;
	[tilespmem:$0x1E000] =	vst v63  }
0x44b: {  	_ =	swait.ge [sflag:s28], $0x6800  }
0x44c: {  	[sflag:s28] =	ssyncset.done $0x0  }
0x44d: {  	[sflag:s28] =	ssyncadd.s32 $0xFFFF9800  }
0x44e: {  	_ =	swait.ge [sflag:s29], $0x6800  }
0x44f: {  	[sflag:s29] =	ssyncset.done $0x0  }
0x450: {  	s1 =	sadd.s32 $0x1, s1;
	[sflag:s29] =	ssyncadd.s32 $0xFFFF9800  }
0x451: {  	p0 =	sne.s32 s1, s11;
	_ =	swait.ge [sflag:s30], $0x6800  }
.Ltmp5:
0x452: {  	[sflag:s30] =	ssyncset.done $0x0;
	(pc) =	sbr.rel @p0 .LBB2_1-.Ltmp5, $4  }
0x453: {  	[sflag:s30] =	ssyncadd.s32 $0xFFFF9800  }
0x454: {  	_ =	swait.ge [sflag:s31], $0x6800  }
0x455: {  	[sflag:s31] =	ssyncset.done $0x0  }
0x456: {  	[sflag:s31] =	ssyncadd.s32 $0xFFFF9800  }
0x457: {  	_ =	sfence.sel $0x180000  }
0x458: {  	[bflag:$0x0] =	sbarrier.arrive $0xFFFF  }
0x459: {  	_ =	strace $0x90000047  }
0x45a: {  	s0 =	stileid.u32;
	[bflag:$0x2] =	sbarrier.arrive $0xFFFF  }
0x45b: {  	p0 =	sne.s32 s0, $0x0;
	s0 =	rddreg [dreg:$0x2]  }
0x45c: {  	s0 =	sadd.s32 @!p0 $0x100000, s0  }
0x45d: {  	[sflag:s0] =	ssyncadd.tile.s32 @!p0 $0x1;
	_ =	shalt  }
.Lfunc_end2:
_tile_overlayer_lowered:
.L_overlay_start_2:
0x45e: {  	(tag) =	ssettag $0x2  }
0x45f: {  	s0 =	rddreg [dreg:$0x0];
	s2 =	stileid.u32  }
0x460: {  	s1 =	rddreg [dreg:$0x1];
	p0 =	sne.s32 s2, $0x0  }
0x461: {  	s3 =	rddreg [dreg:$0x2];
	[bflag:$0x3] =	sbarrier.arrive $0xFFFF;
	s2 =	simm.s32 @!p0 $0x1C09  }
0x462: {  	[timem:s3], [sflag:s2] =	dma.local @!p0 [hbm:s0], s1  }
0x463: {  	s0 =	simm.s32 @!p0 $0x9  }
0x464: {  	_ =	swait.ge @!p0 [sflag:s0], s1  }
0x465: {  	s1 =	ssub.s32 @!p0 $0x0, s1;
	[sflag:s0] =	ssyncset.done @!p0 $0x0  }
0x466: {  	[sflag:s0] =	ssyncadd.s32 @!p0 s1  }
0x467: {  	[bflag:$0x3] =	sbarrier.arrive $0xFFFF  }
0x468: {  	_ =	shalt  }

// kernel: sparse-core-data-format-call.cloned.1.call-start
scs
called_computation_lowered:
.L_overlay_start_0:
0x0: {  	s2 =	sld [smem:$0x3FD9]  }
0x1: {  	s3 =	sld [smem:$0x3FFE];
	_ =	sdelay $0x1  }
0x2: {  	s1 =	srdreg.scid  }
0x3: {  	s0 =	sand.u32 $0x1, s1  }
0x4: {  	s18 =	sshll.u32 s0, $0xA;
	s2 =	sadd.s32 s3, s2  }
0x5: {  	s2 =	sadd.s32 s2, s18  }
0x6: {  	[smem:$0x3FC6] =	sst s2  }
0x7: {  	_ = 	snop  }
0x8: {  	s2 =	sld [smem:$0x3FD0];
	(tm) =	ssettm $0x1  }
0x9: {  	s19 =	sld [smem:$0x3FFB];
	_ =	sdelay $0x3  }
0xa: {  	_ =	strace s19  }
0xb: {  	s3 =	sld [smem:$0x3FFC];
	_ =	sdelay $0x3  }
0xc: {  	_ =	strace s3  }
0xd: {  	s3 =	sld [smem:$0x3FFD];
	_ =	sdelay $0x3  }
0xe: {  	_ =	strace s3  }
0xf: {  	_ =	strace $0x8FFFFFFF  }
0x10: {  	s20 =	sld [smem:$0x3FDB];
	_ =	sdelay $0x1  }
0x11: {  	s4 =	simm.s32 $_scs_section_size  }
0x12: {  	s5 =	simm.s32 $_size__tile_overlayer_lowered;
	s6 =	simm.s32 $_tile_overlayer_lowered  }
0x13: {  	s23 =	simm.s32 $0x1BFF;
	s22 =	sshll.u32 s6, $0x1;
	s3 =	sadd.s32 s4, s20  }
0x14: {  	s7 =	simm.s32 $0x0;
	s21 =	sshll.u32 s5, $0x1;
	s5 =	sadd.s32 s22, s3  }
0x15: {  	[timem:s7], [sflag:s23] =	dma.local [hbm:s5], s21  }
0x16: {  	_ =	swait.ge [sflag:s23], s21  }
0x17: {  	s4 =	ssub.s32 $0x0, s21;
	[sflag:s23] =	ssyncset.done $0x0  }
0x18: {  	[sflag:s23] =	ssyncadd.s32 s4;
	_ =	sdelay $0x1  }
0x19: {  	s24 =	simm.s32 $0x1B8B  }
0x1a: {  	_ =	swait.ge [sflag:s24], $0x1  }
0x1b: {  	[sflag:s24] =	ssyncset.done $0x0  }
0x1c: {  	s26 =	simm.s32 $0x1B8E;
	s25 =	sld [smem:$0x3FFE];
	[sflag:s24] =	ssyncadd.s32 $0xFFFFFFFF  }
0x1d: {  	s27 =	simm.s32 $execute0_lowered;
	[smem:$0x3FD2] =	sst s26  }
0x1e: {  	s5 =	sshll.u32 s27, $0x1;
	_ =	strace $0x80000049;
	[dreg:$0x1] =	wrdreg $0xFFFFFFFF  }
0x1f: {  	s28 =	simm.s32 $_size_execute0_lowered;
	s3 =	sadd.s32 s3, s5;
	[dreg:$0x0] =	wrdreg $0x0  }
0x20: {  	s5 =	sshll.u32 s28, $0x1;
	[dreg:$0x2] =	wrdreg s3  }
0x21: {  	[dreg:$0x3] =	wrdreg s5  }
0x22: {  	[dreg:$0x4] =	wrdreg $0xC0  }
0x23: {  	_ =	task [dreg:s7], $0x5FFFF  }
0x24: {  	[dreg:$0x1] =	wrdreg $0xFFFFFFFF  }
0x25: {  	[dreg:$0x0] =	wrdreg $0x60  }
0x26: {  	[dreg:$0x2] =	wrdreg s25  }
0x27: {  	[dreg:$0x3] =	wrdreg s2  }
0x28: {  	[dreg:$0x4] =	wrdreg $0x9  }
0x29: {  	_ =	task.clear_ibuf [dreg:s7], $0x5FFFF;
	_ =	strace $0x90000049  }
0x2a: {  	s29 =	simm.s32 $0x9;
	_ =	strace $0x8000004B  }
0x2b: {  	_ =	swait.ge [sflag:s29], $0x1  }
0x2c: {  	[sflag:s29] =	ssyncadd.s32 $0xFFFFFFFF  }
0x2d: {  	_ =	strace $0x9000004B  }
0x2e: {  	_ =	sfence  }
0x2f: {  	s30 =	sld [smem:$0x0];
	_ =	sdelay $0x2  }
0x30: {  	s31 =	sshll.u32 s1, $0xD;
	s1 =	sshrl.u32 s1, $0x2  }
0x31: {  	s3 =	sand.u32 $0x4000, s31;
	s1 =	sadd.s32 s1, s30  }
0x32: {  	s0 =	sor.u32 s3, s0;
	s1 =	sshll.u32 s1, $0x11  }
0x33: {  	s0 =	sor.u32 s1, s0  }
0x34: {  	s0 =	sadd.s32 $0x8F2B, s0  }
0x35: {  	[sflag:s0] =	ssyncadd.remote.s32 $0x1  }
0x36: {  	_ =	sfence.sel $0xFFFF  }
0x37: {  	[dreg:$0x0] =	wrdreg $0xFFFFFFFF;
	(pc) =	sbr.abs _section_cstart, $3  }
0x38: {  	[dreg:$0x1] =	wrdreg $0xFFFFFFFF  }
0x39: {  	_ =	task.clear_ibuf [dreg:s7], $0x2FFFF;
	_ =	strace $0x9FFFFFFF  }
0x3a: {  	(tm) =	ssettm $0x7FFFFFFF  }
0x3b: {  	_ =	shalt  }
tec
execute0_lowered:
.L_overlay_start_1:
0x0: {  	(tag) =	ssettag $0x1  }
0x1: {  	s0 =	srdreg.scid  }
0x2: {  	s1 =	sshll.u32 s0, $0x4  }
0x3: {  	s0 =	stileid.u32;
	s1 =	sand.u32 $0x10, s1  }
0x4: {  	s1 =	sor.u32 s0, s1  }
0x5: {  	s6 =	rddreg [dreg:$0x0];
	s4 =	simm.s32 $0x1;
	s2 =	sshll.u32 s1, $0x7  }
0x6: {  	s7 =	simm.s32 $0x2;
	s12 =	simm.s32 $0x0;
	s1 =	ssub.s32 $0x4000, s2  }
0x7: {  	s8 =	simm.s32 $0x20000;
	s13 =	simm.s32 $0x0;
	s3 =	sand.u32 $0xF80, s1  }
0x8: {  	s9 =	simm.s32 $0x0;
	s5 =	sshrl.u32 s1, $0xC;
	p0 =	sne.s32 s3, $0x0  }
.Ltmp0:
0x9: {  	s1 =	rddreg [dreg:$0x2];
	s4 =	simm.s32 @!p0 $0x0;
	(pc) =	sbr.rel .LBB1_1-.Ltmp0, $4  }
0xa: {  	s11 =	simm.s32 $0x0;
	s3 =	rddreg [dreg:$0x1];
	s5 =	sadd.s32 s4, s5  }
0xb: {  	_ =	strace $0x8000004A;
	s4 =	simm.s32 $0x1;
	s5 =	smul.u32 $0x1A, s5  }
0xc: {  	s6 =	sadd.s32 $0xA00, s6;
	s10 =	smov.u32 s2;
	[sflag:s4] =	ssyncpa.u1 $0x0  }
0xd: {  	p0 =	por $0x0, $0x0;
	[sflag:s7] =	ssyncpa.u1 $0x0;
	s7 =	sor.u32 $0x1, s5  }
.LBB1_4:
0xe: {  	s16 =	sshll.u32 s13, $0x3;
	s17 =	sand.u32 $0x78, s13  }
0xf: {  	s30 =	sand.u32 $0xF800, s13;
	s12 =	sshll.u32 s12, $0x10;
	s16 =	sand.u32 $0x3C00, s16  }
0x10: {  	s31 =	sand.u32 $0x7, s13;
	s16 =	sor.u32 s17, s16;
	s17 =	sadd.s32 s3, s30  }
0x11: {  	s13 =	sshll.u32 s31, $0x12;
	s16 =	sshrl.u32 s16, $0x3;
	s12 =	sadd.s32 s12, s17  }
0x12: {  	[tilespmem:s15+$0x0 ss:$0x81] =	vst.msk $0xffff, v0;
	s13 =	sor.u32 $0x400, s13;
	s12 =	sadd.s32 s16, s12  }
0x13: {  	[hbm4b:s12+s13] =	stream.strided.scatter [tilespmem:s14], [sflag:$0x2], $0x1000, s8, s13, $0x20;
	[tilespmem:$0x4040] =	vst v63  }
.LBB1_5:
0x14: {  	s14 =	sadd.s32 $0x1, s9  }
0x15: {  	s12 =	sadd.s32 $0x1000, s10;
	s16 =	smov.u32 s10;
	p2 =	sgt.s32 s14, $0x19  }
0x16: {  	s16 =	smov.u32 @p2 s12  }
0x17: {  	s14 =	simm.s32 @p2 $0x0;
	p2 =	sgt.s32 s16, $0x3FFF  }
0x18: {  	s16 =	smov.u32 @p2 s2;
	p2 =	sne.s32 s11, s7  }
.Ltmp1:
0x19: {  	p1 =	slt.u32 s11, $0x2;
	(pc) =	sbr.rel @!p2 .LBB1_6-.Ltmp1, $4  }
0x1a: {  	s15 =	simm.s32 @!p1 $0x2  }
0x1b: {  	s13 =	smov.u32 s10;
	p0 =	por !p0, !p0;
	_ =	swait.ge @!p1 [sflag:s15], $0x1000  }
0x1c: {  	s12 =	smov.u32 s9;
	[sflag:s15] =	ssyncset.done @!p1 $0x0;
	s9 =	smov.u32 s14  }
0x1d: {  	s11 =	sadd.s32 $0x1, s11;
	[sflag:s15] =	ssyncadd.s32 @!p1 $0xFFFFF000;
	s10 =	smov.u32 s16  }
.LBB1_1:
0x1e: {  	p1 =	sge.u32 s11, s5  }
0x1f: {  	s31 =	sadd.s32 $0xFFFFFFFF, s11;
	s14 =	sxor.u32 @!p1 $0xFFFFFFFF, s11  }
0x20: {  	s15 =	sshll.u32 @!p1 s10, $0x9;
	s16 =	sshll.u32 @!p1 s9, $0x4;
	s17 =	simm.s32 @!p1 $0x1000  }
0x21: {  	s14 =	sshll.u32 @!p1 s14, $0xC;
	s16 =	sand.u32 @!p1 $0x1F0, s16;
	s15 =	sadd.s32 @!p1 s6, s15  }
0x22: {  	s14 =	sand.u32 @!p1 $0x1000, s14;
	s15 =	sadd.s32 @!p1 s16, s15;
	s16 =	simm.s32 @!p1 $0x20  }
0x23: {  	[tilespmem:s14], [sflag:$0x1] =	stream.strided.gather @!p1 [hbm4b:s15+s16], $0x1000, s17, s16, $0x38;
	[tilespmem:$0x4040] =	vst v63  }
0x24: {  	p1 =	sge.u32 s31, s5  }
.Ltmp2:
0x25: {  	_ = 	snop;
	(pc) =	sbr.rel @p1 .LBB1_5-.Ltmp2, $1  }
0x26: {  	_ =	sdelay $0x3  }
0x27: {  	s14 =	simm.s32 $0x1  }
0x28: {  	_ =	swait.ge [sflag:s4], $0x1000;
	s14 =	simm.s32 @!p0 $0x0  }
0x29: {  	[sflag:s4] =	ssyncset.done $0x0;
	s15 =	sshll.u32 s14, $0xC  }
0x2a: {  	[sflag:s4] =	ssyncadd.s32 $0xFFFFF000;
	s18 =	sor.u32 $0x10, s15  }
0x2b: {  	s14 =	smul.u32 $0x4080, s14;
	v1 =	vld [tilespmem:s18+$0x0]  }
0x2c: {  	s30 =	sand.u32 $0x1, s11;
	v0 =	vld [tilespmem:s18+$0xFFFFFFF0]  }
0x2d: {  	s15 =	smul.u32 $0x4080, s30;
	s14 =	sshrl.u32 s14, $0x2  }
0x2e: {  	s16 =	sor.u32 $0x2000, s14  }
0x2f: {  	s31 =	sshrl.u32 s15, $0x2;
	s15 =	sadd.s32 $0x0, s16  }
0x30: {  	s17 =	simm.s32 $0x4;
	s18 =	sadd.s32 $0x20, s18;
	s14 =	sor.u32 $0x2000, s31;
	[tilespmem:s15+$0x810 ss:$0x81] =	vst.msk $0xffff, v1  }
.LBB1_3:
0x31: {  	v1 =	vld [tilespmem:s18+$0x0];
	p1 =	sne.s32 s17, $0x1FC;
	[tilespmem:s15+$0x0 ss:$0x81] =	vst.msk $0xffff, v0;
	s15 =	smov.u32 s17;
	s17 =	sadd.s32 $0x4, s17  }
.Ltmp3:
0x32: {  	v0 =	vld [tilespmem:s18+$0xFFFFFFF0];
	(pc) =	sbr.rel @p1 .LBB1_3-.Ltmp3, $4  }
0x33: {  	_ = 	snop  }
0x34: {  	s15 =	sshra.s32 s15, $0x2  }
0x35: {  	s15 =	sadd.s32 s15, s16  }
0x36: {  	s18 =	sadd.s32 $0x20, s18;
	[tilespmem:s15+$0x810 ss:$0x81] =	vst.msk $0xffff, v1  }
.Ltmp4:
0x37: {  	_ = 	snop;
	(pc) =	sbr.rel .LBB1_4-.Ltmp4, $1  }
0x38: {  	_ =	sdelay $0x3  }
.LBB1_6:
0x39: {  	_ =	sfence.sel $0x180000  }
0x3a: {  	s2 =	simm.s32 $0x1;
	[bflag:$0x0] =	sbarrier.arrive $0xFFFF  }
0x3b: {  	s31 =	simm.s32 $0x2;
	[sflag:s2] =	ssyncpa.u1 $0x1  }
0x3c: {  	[sflag:s31] =	ssyncpa.u1 $0x1  }
0x3d: {  	p0 =	sne.s32 s0, $0x0;
	_ =	strace $0x9000004A  }
0x3e: {  	s0 =	sadd.s32 @!p0 $0x100000, s1;
	[bflag:$0x2] =	sbarrier.arrive $0xFFFF  }
0x3f: {  	[sflag:s0] =	ssyncadd.tile.s32 @!p0 $0x1;
	_ =	shalt  }
.Lfunc_end1:
_tile_overlayer_lowered:
.L_overlay_start_2:
0x40: {  	(tag) =	ssettag $0x2  }
0x41: {  	s0 =	rddreg [dreg:$0x0];
	s2 =	stileid.u32  }
0x42: {  	s1 =	rddreg [dreg:$0x1];
	p0 =	sne.s32 s2, $0x0  }
0x43: {  	s3 =	rddreg [dreg:$0x2];
	[bflag:$0x3] =	sbarrier.arrive $0xFFFF;
	s2 =	simm.s32 @!p0 $0x1C01  }
0x44: {  	[timem:s3], [sflag:s2] =	dma.local @!p0 [hbm:s0], s1  }
0x45: {  	s0 =	simm.s32 @!p0 $0x1  }
0x46: {  	_ =	swait.ge @!p0 [sflag:s0], s1  }
0x47: {  	s1 =	ssub.s32 @!p0 $0x0, s1;
	[sflag:s0] =	ssyncset.done @!p0 $0x0  }
0x48: {  	[sflag:s0] =	ssyncadd.s32 @!p0 s1  }
0x49: {  	[bflag:$0x3] =	sbarrier.arrive $0xFFFF  }
0x4a: {  	_ =	shalt  }

</sc_bundles>
